<compile_context>
chip_gen: v7x
topology: tpu7x:2x2x1
jax: 0.10.2.dev20260603
libtpu: 0.0.44.dev20260713+nightly
codegen_flags: <defaults>
</compile_context>

<pallas_src>
import functools

import jax
import jax.numpy as jnp
from jax import lax
from jax.experimental import pallas as pl
from jax.experimental.pallas import tpu as pltpu
from jax.experimental.pallas import tpu_sc as plsc

_SC_GRAPHS = 2
_NW = 32


def _scores_kernel(x_ref, w_ref, b_ref, out_ref):
    bg, li = out_ref.shape
    s = jnp.dot(x_ref[...], w_ref[...],
                preferred_element_type=jnp.float32) + b_ref[0, 0]
    out_ref[...] = s.reshape(bg, li)


def _tc_kernel(x_ref, path_ref, w2_ref, b2_ref, out_ref):
    li = path_ref.shape[1]
    cat = jnp.dot(x_ref[...], w2_ref[...],
                  preferred_element_type=jnp.float32) + b2_ref[...]
    path2d = path_ref[0].reshape(li * li, li)
    red = lax.dot_general(
        cat, path2d, (((0,), (1,)), ((), ())),
        preferred_element_type=jnp.float32)
    out = red[0:1, :] / (red[1:2, :] + 1e-8)
    out_ref[0] = out.reshape(li, li)


def _sc_row(buf_ref, scv_ref, out_ref, r_local, li):
    nj = li // 16
    jvec = [jnp.asarray(j0 * 16 + jnp.arange(16), dtype=jnp.int32)
            for j0 in range(nj)]
    zero = jnp.zeros((16,), jnp.float32)
    unroll = 8
    lane = jnp.arange(16, dtype=jnp.int32)

    def kbody(c, carry):
        ns, ds = carry
        ns, ds = list(ns), list(ds)
        for kk in range(unroll):
            kv = c * unroll + kk + lane
            kwrap = jnp.where(kv >= li, kv - li, kv)
            scw = plsc.load_gather(scv_ref, [kwrap])
            for j0 in range(nj):
                v = plsc.load_gather(buf_ref, [jvec[j0], kwrap])
                ns[j0] = ns[j0] + v * scw
                ds[j0] = ds[j0] + v
        return tuple(ns), tuple(ds)

    ns, ds = lax.fori_loop(0, li // unroll, kbody,
                           (tuple([zero] * nj), tuple([zero] * nj)))
    for j0 in range(nj):
        out_ref[r_local, pl.ds(j0 * 16, 16)] = ns[j0] / (ds[j0] + 1e-8)


def _sc_kernel(rows_per_w, li, g0,
               paths_hbm, scores_hbm, out_hbm,
               buf0_v, buf1_v, scv_v, out_v, sem0, sem1):
    wid = lax.axis_index("s") * 2 + lax.axis_index("c")
    r0 = wid * rows_per_w
    gl = r0 // li
    i0 = r0 % li
    g = g0 + gl

    pltpu.sync_copy(scores_hbm.at[g], scv_v)
    pltpu.async_copy(paths_hbm.at[g, i0], buf0_v, sem0)
    pltpu.async_copy(paths_hbm.at[g, i0 + 1], buf1_v, sem1)

    def body(it, _):
        r = 2 * it

        pltpu.make_async_copy(paths_hbm.at[g, i0], buf0_v, sem0).wait()
        _sc_row(buf0_v, scv_v, out_v, r, li)

        @pl.when(r + 2 < rows_per_w)
        def _():
            pltpu.async_copy(paths_hbm.at[g, i0 + r + 2], buf0_v, sem0)

        pltpu.make_async_copy(paths_hbm.at[g, i0], buf1_v, sem1).wait()
        _sc_row(buf1_v, scv_v, out_v, r + 1, li)

        @pl.when(r + 3 < rows_per_w)
        def _():
            pltpu.async_copy(paths_hbm.at[g, i0 + r + 3], buf1_v, sem1)

        return 0

    lax.fori_loop(0, rows_per_w // 2, body, 0)
    pltpu.sync_copy(out_v, out_hbm.at[gl, pl.ds(i0, rows_per_w)])


def kernel(x, node_paths, ptr, W, b):
    del ptr
    Bg, Li = node_paths.shape[0], node_paths.shape[1]
    D = x.shape[1]
    g_sc = _SC_GRAPHS
    g_tc = Bg - g_sc

    scores = pl.pallas_call(
        _scores_kernel,
        grid=(1,),
        in_specs=[
            pl.BlockSpec((Bg * Li, D), lambda i: (0, 0)),
            pl.BlockSpec((D, 1), lambda i: (0, 0)),
            pl.BlockSpec((1, 1), lambda i: (0, 0)),
        ],
        out_specs=pl.BlockSpec((Bg, Li), lambda i: (0, 0)),
        out_shape=jax.ShapeDtypeStruct((Bg, Li), jnp.float32),
    )(x, W.reshape(D, 1), b.reshape(1, 1))

    rows_per_w = g_sc * Li // _NW
    mesh = plsc.VectorSubcoreMesh(core_axis_name="c", subcore_axis_name="s")
    sc_out = pl.kernel(
        functools.partial(_sc_kernel, rows_per_w, Li, 0),
        mesh=mesh,
        out_type=jax.ShapeDtypeStruct((g_sc, Li, Li), jnp.float32),
        scratch_types=[
            pltpu.VMEM((Li, Li), jnp.float32),
            pltpu.VMEM((Li, Li), jnp.float32),
            pltpu.VMEM((Li,), jnp.float32),
            pltpu.VMEM((rows_per_w, Li), jnp.float32),
            pltpu.SemaphoreType.DMA,
            pltpu.SemaphoreType.DMA,
        ],
        compiler_params=pltpu.CompilerParams(needs_layout_passes=False),
    )(node_paths, scores)

    if g_tc == 0:
        return sc_out

    W2 = jnp.concatenate([W.T, jnp.zeros((D, 1), jnp.float32)], axis=1)
    b2 = jnp.stack([b[0], jnp.float32(1.0)]).reshape(1, 2)
    tc_out = pl.pallas_call(
        _tc_kernel,
        grid=(g_tc,),
        in_specs=[
            pl.BlockSpec((Li, D), lambda g: (g + g_sc, 0)),
            pl.BlockSpec((1, Li, Li, Li), lambda g: (g + g_sc, 0, 0, 0)),
            pl.BlockSpec((D, 2), lambda g: (0, 0)),
            pl.BlockSpec((1, 2), lambda g: (0, 0)),
        ],
        out_specs=pl.BlockSpec((1, Li, Li), lambda g: (g, 0, 0)),
        out_shape=jax.ShapeDtypeStruct((g_tc, Li, Li), jnp.float32),
        compiler_params=pltpu.CompilerParams(
            dimension_semantics=("parallel",)),
    )(x, node_paths, W2, b2)

    return jnp.concatenate([sc_out, tc_out], axis=0)

# --- scband reference (transcript-rebuilt; emitter-appended) ---
"""Pipeline reference for scband-node-encoding-72816875537095 (READ-ONLY COPY).

The authoritative reference and input builder live on the scoring server;
editing this copy changes nothing except your own understanding.
"""

import jax, jax.numpy as jnp
import numpy as np

B = 16
L = 128
D = 256

def setup_inputs(seed: int = 0) -> dict:
    key = jax.random.key(seed)
    k1, k2, k3 = jax.random.split(key, 3)
    x = jax.random.normal(k1, (B * L, D), dtype=jnp.float32)
    # binary path-membership masks per graph: [B, L, L, L]
    node_paths = (jax.random.uniform(k2, (B, L, L, L), dtype=jnp.float32) < 0.3).astype(jnp.float32)
    # ptr must be cumulative node offsets: [0, L, 2L, ..., B*L]
    ptr = (jnp.arange(B + 1, dtype=jnp.int64) * L)
    W = jax.random.normal(k3, (1, D), dtype=jnp.float32) / np.sqrt(D)
    b = jnp.zeros((1,), dtype=jnp.float32)
    return {"x": x, "node_paths": node_paths, "ptr": ptr, "W": W, "b": b}

def reference(x, node_paths, ptr, W, b):
    n_graphs = ptr.shape[0] - 1
    Li = node_paths.shape[1]
    node_scores = (x @ W.T + b)[:, 0]  # [total_nodes]
    rows = []
    for idx in range(n_graphs):
        start = ptr[idx]
        path = node_paths[idx]  # [Li, Li, Li]
        sc = jax.lax.dynamic_slice(node_scores, (start,), (Li,))  # [Li]
        enc = (sc[None, None, :] * path).sum(axis=-1) / (path.sum(axis=-1) + 1e-08)
        rows.append(enc)
    return jnp.stack(rows, axis=0)

if __name__ == "__main__":
    import jax
    _d = setup_inputs()
    print(jax.jit(kernel)(*tuple(_d.values())))

</pallas_src>

<mosaic_0001>
#map = affine_map<(d0, d1) -> (0, 0, 0, 0)>
#map1 = affine_map<(d0, d1) -> (0, 0)>
#map2 = affine_map<(d0, d1) -> (0, 0, 0)>
module attributes {stable_mosaic.version = 14 : i64} {
  func.func @_sc_kernel(%arg0: i32, %arg1: i32, %arg2: memref<16x128x128x128xf32, #tpu.memory_space<hbm>>, %arg3: memref<16x128xf32, #tpu.memory_space<hbm>>, %arg4: memref<2x128x128xf32, #tpu.memory_space<hbm>>, %arg5: memref<128x128xf32, #tpu.memory_space<vmem>>, %arg6: memref<128x128xf32, #tpu.memory_space<vmem>>, %arg7: memref<128xf32, #tpu.memory_space<vmem>>, %arg8: memref<8x128xf32, #tpu.memory_space<vmem>>, %arg9: memref<!tpu.dma_semaphore, #tpu.memory_space<semaphore_mem>>, %arg10: memref<!tpu.dma_semaphore, #tpu.memory_space<semaphore_mem>>) attributes {dimension_semantics = [#tpu.dimension_semantics<core_parallel>, #tpu.dimension_semantics<subcore_parallel>], iteration_bounds = array<i64: 2, 16>, scalar_prefetch = 0 : i64, scratch_operands = 6 : i64, tpu.core_type = #tpu.core_type<sc_vector_subcore>, window_params = [{transform_indices = #map}, {transform_indices = #map1}, {transform_indices = #map2}]} {
    %mul3A = arith.constant 2 : i32
    %mul3A_0 = arith.muli %arg1, %mul3A : i32
    %add3A = arith.addi %mul3A_0, %arg0 : i32
    %mul3A_1 = arith.constant 8 : i32
    %mul3A_2 = arith.muli %add3A, %mul3A_1 : i32
    %jit3A = arith.constant 128 : i32
    %div3A = arith.divsi %mul3A_2, %jit3A : i32
    %sign3A = arith.constant 0 : i32
    %sign3A_3 = arith.cmpi sgt, %mul3A_2, %sign3A : i32
    %sign3A_4 = arith.extui %sign3A_3 : i1 to i32
    %sign3A_5 = arith.constant 0 : i32
    %sign3A_6 = arith.cmpi slt, %mul3A_2, %sign3A_5 : i32
    %sign3A_7 = arith.extui %sign3A_6 : i1 to i32
    %sign3A_8 = arith.subi %sign3A_4, %sign3A_7 : i32
    %sign3A_9 = arith.constant 0 : i32
    %sign3A_10 = arith.cmpi sgt, %jit3A, %sign3A_9 : i32
    %sign3A_11 = arith.extui %sign3A_10 : i1 to i32
    %sign3A_12 = arith.constant 0 : i32
    %sign3A_13 = arith.cmpi slt, %jit3A, %sign3A_12 : i32
    %sign3A_14 = arith.extui %sign3A_13 : i1 to i32
    %sign3A_15 = arith.subi %sign3A_11, %sign3A_14 : i32
    %ne3A = arith.cmpi ne, %sign3A_8, %sign3A_15 : i32
    %rem3A = arith.remsi %mul3A_2, %jit3A : i32
    %ne3A_16 = arith.constant 0 : i32
    %ne3A_17 = arith.cmpi ne, %rem3A, %ne3A_16 : i32
    %and3A = arith.andi %ne3A, %ne3A_17 : i1
    %sub3A = arith.constant 1 : i32
    %sub3A_18 = arith.subi %div3A, %sub3A : i32
    %select_n3A = arith.select %and3A, %sub3A_18, %div3A : i32
    %jit3A_19 = arith.constant 128 : i32
    %eq3A = arith.constant 0 : i32
    %eq3A_20 = arith.cmpi eq, %jit3A_19, %eq3A : i32
    %jit3A_21 = arith.constant 1 : i32
    %select_n3A_22 = arith.select %eq3A_20, %jit3A_21, %jit3A_19 : i32
    %rem3A_23 = arith.remsi %mul3A_2, %select_n3A_22 : i32
    %ne3A_24 = arith.constant 0 : i32
    %ne3A_25 = arith.cmpi ne, %rem3A_23, %ne3A_24 : i32
    %lt3A = arith.constant 0 : i32
    %lt3A_26 = arith.cmpi slt, %rem3A_23, %lt3A : i32
    %lt3A_27 = arith.constant 0 : i32
    %lt3A_28 = arith.cmpi slt, %select_n3A_22, %lt3A_27 : i32
    %ne3A_29 = arith.xori %lt3A_26, %lt3A_28 : i1
    %and3A_30 = arith.andi %ne3A_29, %ne3A_25 : i1
    %add3A_31 = arith.addi %rem3A_23, %select_n3A_22 : i32
    %select_n3A_32 = arith.select %and3A_30, %add3A_31, %rem3A_23 : i32
    %add3A_33 = arith.constant 0 : i32
    %add3A_34 = arith.addi %add3A_33, %select_n3A : i32
    "tpu.region"() ({
      %run_scoped3A = tpu.sem_alloc : memref<!tpu.dma_semaphore, #tpu.memory_space<semaphore_mem>>
      %dma_start3A_58 = arith.constant 0 : i32
      %dma_start3A_59 = tpu.memref_slice %arg3[%add3A_34, %dma_start3A_58] : memref<16x128xf32, #tpu.memory_space<hbm>> -> memref<1x128xf32, #tpu.memory_space<hbm>>
      %dma_start3A_60 = tpu.memref_squeeze %dma_start3A_59 : memref<1x128xf32, #tpu.memory_space<hbm>> -> memref<128xf32, #tpu.memory_space<hbm>>
      %dma_start3A_61 = arith.constant 0 : i32
      %dma_start3A_62 = tpu.memref_slice %arg3[%add3A_34, %dma_start3A_61] : memref<16x128xf32, #tpu.memory_space<hbm>> -> memref<1x128xf32, #tpu.memory_space<hbm>>
      %dma_start3A_63 = tpu.memref_squeeze %dma_start3A_62 : memref<1x128xf32, #tpu.memory_space<hbm>> -> memref<128xf32, #tpu.memory_space<hbm>>
      tpu.enqueue_dma source(%dma_start3A_63 : memref<128xf32, #tpu.memory_space<hbm>>) target(%arg7 : memref<128xf32, #tpu.memory_space<vmem>>) target_semaphore(%run_scoped3A : memref<!tpu.dma_semaphore, #tpu.memory_space<semaphore_mem>>)
      %dma_wait3A = arith.constant 0 : i32
      %dma_wait3A_64 = tpu.memref_slice %arg3[%add3A_34, %dma_wait3A] : memref<16x128xf32, #tpu.memory_space<hbm>> -> memref<1x128xf32, #tpu.memory_space<hbm>>
      %dma_wait3A_65 = tpu.memref_squeeze %dma_wait3A_64 : memref<1x128xf32, #tpu.memory_space<hbm>> -> memref<128xf32, #tpu.memory_space<hbm>>
      %dma_wait3A_66 = arith.constant 0 : i32
      %dma_wait3A_67 = tpu.memref_slice %arg3[%add3A_34, %dma_wait3A_66] : memref<16x128xf32, #tpu.memory_space<hbm>> -> memref<1x128xf32, #tpu.memory_space<hbm>>
      %dma_wait3A_68 = tpu.memref_squeeze %dma_wait3A_67 : memref<1x128xf32, #tpu.memory_space<hbm>> -> memref<128xf32, #tpu.memory_space<hbm>>
      tpu.wait_dma2 semaphore(%run_scoped3A : memref<!tpu.dma_semaphore, #tpu.memory_space<semaphore_mem>>) src(%dma_wait3A_68 : memref<128xf32, #tpu.memory_space<hbm>>) dst(%arg7 : memref<128xf32, #tpu.memory_space<vmem>>)
      tpu.yield
    }) : () -> ()
    %dma_start3A = arith.constant 0 : i32
    %dma_start3A_35 = arith.constant 0 : i32
    %dma_start3A_36 = tpu.memref_slice %arg2[%add3A_34, %select_n3A_32, %dma_start3A, %dma_start3A_35] : memref<16x128x128x128xf32, #tpu.memory_space<hbm>> -> memref<1x1x128x128xf32, #tpu.memory_space<hbm>>
    %dma_start3A_37 = tpu.memref_squeeze %dma_start3A_36 : memref<1x1x128x128xf32, #tpu.memory_space<hbm>> -> memref<128x128xf32, #tpu.memory_space<hbm>>
    %dma_start3A_38 = arith.constant 0 : i32
    %dma_start3A_39 = arith.constant 0 : i32
    %dma_start3A_40 = tpu.memref_slice %arg2[%add3A_34, %select_n3A_32, %dma_start3A_38, %dma_start3A_39] : memref<16x128x128x128xf32, #tpu.memory_space<hbm>> -> memref<1x1x128x128xf32, #tpu.memory_space<hbm>>
    %dma_start3A_41 = tpu.memref_squeeze %dma_start3A_40 : memref<1x1x128x128xf32, #tpu.memory_space<hbm>> -> memref<128x128xf32, #tpu.memory_space<hbm>>
    tpu.enqueue_dma source(%dma_start3A_41 : memref<128x128xf32, #tpu.memory_space<hbm>>) target(%arg5 : memref<128x128xf32, #tpu.memory_space<vmem>>) target_semaphore(%arg9 : memref<!tpu.dma_semaphore, #tpu.memory_space<semaphore_mem>>)
    %add3A_42 = arith.constant 1 : i32
    %add3A_43 = arith.addi %select_n3A_32, %add3A_42 : i32
    %dma_start3A_44 = arith.constant 0 : i32
    %dma_start3A_45 = arith.constant 0 : i32
    %dma_start3A_46 = tpu.memref_slice %arg2[%add3A_34, %add3A_43, %dma_start3A_44, %dma_start3A_45] : memref<16x128x128x128xf32, #tpu.memory_space<hbm>> -> memref<1x1x128x128xf32, #tpu.memory_space<hbm>>
    %dma_start3A_47 = tpu.memref_squeeze %dma_start3A_46 : memref<1x1x128x128xf32, #tpu.memory_space<hbm>> -> memref<128x128xf32, #tpu.memory_space<hbm>>
    %dma_start3A_48 = arith.constant 0 : i32
    %dma_start3A_49 = arith.constant 0 : i32
    %dma_start3A_50 = tpu.memref_slice %arg2[%add3A_34, %add3A_43, %dma_start3A_48, %dma_start3A_49] : memref<16x128x128x128xf32, #tpu.memory_space<hbm>> -> memref<1x1x128x128xf32, #tpu.memory_space<hbm>>
    %dma_start3A_51 = tpu.memref_squeeze %dma_start3A_50 : memref<1x1x128x128xf32, #tpu.memory_space<hbm>> -> memref<128x128xf32, #tpu.memory_space<hbm>>
    tpu.enqueue_dma source(%dma_start3A_51 : memref<128x128xf32, #tpu.memory_space<hbm>>) target(%arg6 : memref<128x128xf32, #tpu.memory_space<vmem>>) target_semaphore(%arg10 : memref<!tpu.dma_semaphore, #tpu.memory_space<semaphore_mem>>)
    %scan3A = arith.constant 0 : i32
    %scan3A_52 = arith.constant 0 : i32
    %scan3A_53 = arith.constant 4 : i32
    %scan3A_54 = arith.addi %scan3A_52, %scan3A_53 : i32
    %scan3A_55 = arith.constant 1 : i32
    %scan3A_56 = scf.for %scan3A_58 = %scan3A_52 to %scan3A_54 step %scan3A_55 iter_args(%scan3A_59 = %scan3A) -> (i32)  : i32 {
      %mul3A_60 = arith.constant 2 : i32
      %mul3A_61 = arith.muli %mul3A_60, %scan3A_58 : i32
      %dma_wait3A = arith.constant 0 : i32
      %dma_wait3A_62 = arith.constant 0 : i32
      %dma_wait3A_63 = tpu.memref_slice %arg2[%add3A_34, %select_n3A_32, %dma_wait3A, %dma_wait3A_62] : memref<16x128x128x128xf32, #tpu.memory_space<hbm>> -> memref<1x1x128x128xf32, #tpu.memory_space<hbm>>
      %dma_wait3A_64 = tpu.memref_squeeze %dma_wait3A_63 : memref<1x1x128x128xf32, #tpu.memory_space<hbm>> -> memref<128x128xf32, #tpu.memory_space<hbm>>
      %dma_wait3A_65 = arith.constant 0 : i32
      %dma_wait3A_66 = arith.constant 0 : i32
      %dma_wait3A_67 = tpu.memref_slice %arg2[%add3A_34, %select_n3A_32, %dma_wait3A_65, %dma_wait3A_66] : memref<16x128x128x128xf32, #tpu.memory_space<hbm>> -> memref<1x1x128x128xf32, #tpu.memory_space<hbm>>
      %dma_wait3A_68 = tpu.memref_squeeze %dma_wait3A_67 : memref<1x1x128x128xf32, #tpu.memory_space<hbm>> -> memref<128x128xf32, #tpu.memory_space<hbm>>
      tpu.wait_dma2 semaphore(%arg9 : memref<!tpu.dma_semaphore, #tpu.memory_space<semaphore_mem>>) src(%dma_wait3A_68 : memref<128x128xf32, #tpu.memory_space<hbm>>) dst(%arg5 : memref<128x128xf32, #tpu.memory_space<vmem>>)
      %iota3A = tpu.iota {dimensions = array<i32: 0>} : vector<16xi32>
      %add3A_69 = arith.constant 0 : i32
      %add3A_70 = vector.broadcast %add3A_69 : i32 to vector<16xi32>
      %add3A_71 = arith.addi %add3A_70, %iota3A : vector<16xi32>
      %iota3A_72 = tpu.iota {dimensions = array<i32: 0>} : vector<16xi32>
      %add3A_73 = arith.constant 16 : i32
      %add3A_74 = vector.broadcast %add3A_73 : i32 to vector<16xi32>
      %add3A_75 = arith.addi %add3A_74, %iota3A_72 : vector<16xi32>
      %iota3A_76 = tpu.iota {dimensions = array<i32: 0>} : vector<16xi32>
      %add3A_77 = arith.constant 32 : i32
      %add3A_78 = vector.broadcast %add3A_77 : i32 to vector<16xi32>
      %add3A_79 = arith.addi %add3A_78, %iota3A_76 : vector<16xi32>
      %iota3A_80 = tpu.iota {dimensions = array<i32: 0>} : vector<16xi32>
      %add3A_81 = arith.constant 48 : i32
      %add3A_82 = vector.broadcast %add3A_81 : i32 to vector<16xi32>
      %add3A_83 = arith.addi %add3A_82, %iota3A_80 : vector<16xi32>
      %iota3A_84 = tpu.iota {dimensions = array<i32: 0>} : vector<16xi32>
      %add3A_85 = arith.constant 64 : i32
      %add3A_86 = vector.broadcast %add3A_85 : i32 to vector<16xi32>
      %add3A_87 = arith.addi %add3A_86, %iota3A_84 : vector<16xi32>
      %iota3A_88 = tpu.iota {dimensions = array<i32: 0>} : vector<16xi32>
      %add3A_89 = arith.constant 80 : i32
      %add3A_90 = vector.broadcast %add3A_89 : i32 to vector<16xi32>
      %add3A_91 = arith.addi %add3A_90, %iota3A_88 : vector<16xi32>
      %iota3A_92 = tpu.iota {dimensions = array<i32: 0>} : vector<16xi32>
      %add3A_93 = arith.constant 96 : i32
      %add3A_94 = vector.broadcast %add3A_93 : i32 to vector<16xi32>
      %add3A_95 = arith.addi %add3A_94, %iota3A_92 : vector<16xi32>
      %iota3A_96 = tpu.iota {dimensions = array<i32: 0>} : vector<16xi32>
      %add3A_97 = arith.constant 112 : i32
      %add3A_98 = vector.broadcast %add3A_97 : i32 to vector<16xi32>
      %add3A_99 = arith.addi %add3A_98, %iota3A_96 : vector<16xi32>
      %broadcast_in_dim3A = arith.constant 0.000000e+00 : f32
      %broadcast_in_dim3A_100 = vector.broadcast %broadcast_in_dim3A : f32 to vector<16xf32>
      %iota3A_101 = tpu.iota {dimensions = array<i32: 0>} : vector<16xi32>
      %scan3A_102 = arith.constant 0 : i32
      %scan3A_103 = arith.constant 16 : i32
      %scan3A_104 = arith.addi %scan3A_102, %scan3A_103 : i32
      %scan3A_105 = arith.constant 1 : i32
      %scan3A_106:16 = scf.for %scan3A_283 = %scan3A_102 to %scan3A_104 step %scan3A_105 iter_args(%scan3A_284 = %broadcast_in_dim3A_100, %scan3A_285 = %broadcast_in_dim3A_100, %scan3A_286 = %broadcast_in_dim3A_100, %scan3A_287 = %broadcast_in_dim3A_100, %scan3A_288 = %broadcast_in_dim3A_100, %scan3A_289 = %broadcast_in_dim3A_100, %scan3A_290 = %broadcast_in_dim3A_100, %scan3A_291 = %broadcast_in_dim3A_100, %scan3A_292 = %broadcast_in_dim3A_100, %scan3A_293 = %broadcast_in_dim3A_100, %scan3A_294 = %broadcast_in_dim3A_100, %scan3A_295 = %broadcast_in_dim3A_100, %scan3A_296 = %broadcast_in_dim3A_100, %scan3A_297 = %broadcast_in_dim3A_100, %scan3A_298 = %broadcast_in_dim3A_100, %scan3A_299 = %broadcast_in_dim3A_100) -> (vector<16xf32>, vector<16xf32>, vector<16xf32>, vector<16xf32>, vector<16xf32>, vector<16xf32>, vector<16xf32>, vector<16xf32>, vector<16xf32>, vector<16xf32>, vector<16xf32>, vector<16xf32>, vector<16xf32>, vector<16xf32>, vector<16xf32>, vector<16xf32>)  : i32 {
        %mul3A_300 = arith.constant 8 : i32
        %mul3A_301 = arith.muli %scan3A_283, %mul3A_300 : i32
        %add3A_302 = arith.constant 0 : i32
        %add3A_303 = arith.addi %mul3A_301, %add3A_302 : i32
        %add3A_304 = vector.broadcast %add3A_303 : i32 to vector<16xi32>
        %add3A_305 = arith.addi %add3A_304, %iota3A_101 : vector<16xi32>
        %ge3A = arith.constant 128 : i32
        %ge3A_306 = vector.broadcast %ge3A : i32 to vector<16xi32>
        %ge3A_307 = arith.cmpi sge, %add3A_305, %ge3A_306 : vector<16xi32>
        %sub3A_308 = arith.constant 128 : i32
        %sub3A_309 = vector.broadcast %sub3A_308 : i32 to vector<16xi32>
        %sub3A_310 = arith.subi %add3A_305, %sub3A_309 : vector<16xi32>
        %select_n3A_311 = arith.select %ge3A_307, %sub3A_310, %add3A_305 : vector<16xi1>, vector<16xi32>
        %gather3A = tpu.vector_load_idx %arg7[%select_n3A_311] : memref<128xf32, #tpu.memory_space<vmem>>[vector<16xi32>], vector<16xf32>,
        %gather3A_312 = tpu.vector_load_idx %arg5[%add3A_71, %select_n3A_311] : memref<128x128xf32, #tpu.memory_space<vmem>>[vector<16xi32>, vector<16xi32>], vector<16xf32>,
        %mul3A_313 = arith.mulf %gather3A_312, %gather3A : vector<16xf32>
        %add3A_314 = arith.addf %scan3A_284, %mul3A_313 : vector<16xf32>
        %add3A_315 = arith.addf %scan3A_292, %gather3A_312 : vector<16xf32>
        %gather3A_316 = tpu.vector_load_idx %arg5[%add3A_75, %select_n3A_311] : memref<128x128xf32, #tpu.memory_space<vmem>>[vector<16xi32>, vector<16xi32>], vector<16xf32>,
        %mul3A_317 = arith.mulf %gather3A_316, %gather3A : vector<16xf32>
        %add3A_318 = arith.addf %scan3A_285, %mul3A_317 : vector<16xf32>
        %add3A_319 = arith.addf %scan3A_293, %gather3A_316 : vector<16xf32>
        %gather3A_320 = tpu.vector_load_idx %arg5[%add3A_79, %select_n3A_311] : memref<128x128xf32, #tpu.memory_space<vmem>>[vector<16xi32>, vector<16xi32>], vector<16xf32>,
        %mul3A_321 = arith.mulf %gather3A_320, %gather3A : vector<16xf32>
        %add3A_322 = arith.addf %scan3A_286, %mul3A_321 : vector<16xf32>
        %add3A_323 = arith.addf %scan3A_294, %gather3A_320 : vector<16xf32>
        %gather3A_324 = tpu.vector_load_idx %arg5[%add3A_83, %select_n3A_311] : memref<128x128xf32, #tpu.memory_space<vmem>>[vector<16xi32>, vector<16xi32>], vector<16xf32>,
        %mul3A_325 = arith.mulf %gather3A_324, %gather3A : vector<16xf32>
        %add3A_326 = arith.addf %scan3A_287, %mul3A_325 : vector<16xf32>
        %add3A_327 = arith.addf %scan3A_295, %gather3A_324 : vector<16xf32>
        %gather3A_328 = tpu.vector_load_idx %arg5[%add3A_87, %select_n3A_311] : memref<128x128xf32, #tpu.memory_space<vmem>>[vector<16xi32>, vector<16xi32>], vector<16xf32>,
        %mul3A_329 = arith.mulf %gather3A_328, %gather3A : vector<16xf32>
        %add3A_330 = arith.addf %scan3A_288, %mul3A_329 : vector<16xf32>
        %add3A_331 = arith.addf %scan3A_296, %gather3A_328 : vector<16xf32>
        %gather3A_332 = tpu.vector_load_idx %arg5[%add3A_91, %select_n3A_311] : memref<128x128xf32, #tpu.memory_space<vmem>>[vector<16xi32>, vector<16xi32>], vector<16xf32>,
        %mul3A_333 = arith.mulf %gather3A_332, %gather3A : vector<16xf32>
        %add3A_334 = arith.addf %scan3A_289, %mul3A_333 : vector<16xf32>
        %add3A_335 = arith.addf %scan3A_297, %gather3A_332 : vector<16xf32>
        %gather3A_336 = tpu.vector_load_idx %arg5[%add3A_95, %select_n3A_311] : memref<128x128xf32, #tpu.memory_space<vmem>>[vector<16xi32>, vector<16xi32>], vector<16xf32>,
        %mul3A_337 = arith.mulf %gather3A_336, %gather3A : vector<16xf32>
        %add3A_338 = arith.addf %scan3A_290, %mul3A_337 : vector<16xf32>
        %add3A_339 = arith.addf %scan3A_298, %gather3A_336 : vector<16xf32>
        %gather3A_340 = tpu.vector_load_idx %arg5[%add3A_99, %select_n3A_311] : memref<128x128xf32, #tpu.memory_space<vmem>>[vector<16xi32>, vector<16xi32>], vector<16xf32>,
        %mul3A_341 = arith.mulf %gather3A_340, %gather3A : vector<16xf32>
        %add3A_342 = arith.addf %scan3A_291, %mul3A_341 : vector<16xf32>
        %add3A_343 = arith.addf %scan3A_299, %gather3A_340 : vector<16xf32>
        %mul3A_344 = arith.constant 8 : i32
        %mul3A_345 = arith.muli %scan3A_283, %mul3A_344 : i32
        %add3A_346 = arith.constant 1 : i32
        %add3A_347 = arith.addi %mul3A_345, %add3A_346 : i32
        %add3A_348 = vector.broadcast %add3A_347 : i32 to vector<16xi32>
        %add3A_349 = arith.addi %add3A_348, %iota3A_101 : vector<16xi32>
        %ge3A_350 = arith.constant 128 : i32
        %ge3A_351 = vector.broadcast %ge3A_350 : i32 to vector<16xi32>
        %ge3A_352 = arith.cmpi sge, %add3A_349, %ge3A_351 : vector<16xi32>
        %sub3A_353 = arith.constant 128 : i32
        %sub3A_354 = vector.broadcast %sub3A_353 : i32 to vector<16xi32>
        %sub3A_355 = arith.subi %add3A_349, %sub3A_354 : vector<16xi32>
        %select_n3A_356 = arith.select %ge3A_352, %sub3A_355, %add3A_349 : vector<16xi1>, vector<16xi32>
        %gather3A_357 = tpu.vector_load_idx %arg7[%select_n3A_356] : memref<128xf32, #tpu.memory_space<vmem>>[vector<16xi32>], vector<16xf32>,
        %gather3A_358 = tpu.vector_load_idx %arg5[%add3A_71, %select_n3A_356] : memref<128x128xf32, #tpu.memory_space<vmem>>[vector<16xi32>, vector<16xi32>], vector<16xf32>,
        %mul3A_359 = arith.mulf %gather3A_358, %gather3A_357 : vector<16xf32>
        %add3A_360 = arith.addf %add3A_314, %mul3A_359 : vector<16xf32>
        %add3A_361 = arith.addf %add3A_315, %gather3A_358 : vector<16xf32>
        %gather3A_362 = tpu.vector_load_idx %arg5[%add3A_75, %select_n3A_356] : memref<128x128xf32, #tpu.memory_space<vmem>>[vector<16xi32>, vector<16xi32>], vector<16xf32>,
        %mul3A_363 = arith.mulf %gather3A_362, %gather3A_357 : vector<16xf32>
        %add3A_364 = arith.addf %add3A_318, %mul3A_363 : vector<16xf32>
        %add3A_365 = arith.addf %add3A_319, %gather3A_362 : vector<16xf32>
        %gather3A_366 = tpu.vector_load_idx %arg5[%add3A_79, %select_n3A_356] : memref<128x128xf32, #tpu.memory_space<vmem>>[vector<16xi32>, vector<16xi32>], vector<16xf32>,
        %mul3A_367 = arith.mulf %gather3A_366, %gather3A_357 : vector<16xf32>
        %add3A_368 = arith.addf %add3A_322, %mul3A_367 : vector<16xf32>
        %add3A_369 = arith.addf %add3A_323, %gather3A_366 : vector<16xf32>
        %gather3A_370 = tpu.vector_load_idx %arg5[%add3A_83, %select_n3A_356] : memref<128x128xf32, #tpu.memory_space<vmem>>[vector<16xi32>, vector<16xi32>], vector<16xf32>,
        %mul3A_371 = arith.mulf %gather3A_370, %gather3A_357 : vector<16xf32>
        %add3A_372 = arith.addf %add3A_326, %mul3A_371 : vector<16xf32>
        %add3A_373 = arith.addf %add3A_327, %gather3A_370 : vector<16xf32>
        %gather3A_374 = tpu.vector_load_idx %arg5[%add3A_87, %select_n3A_356] : memref<128x128xf32, #tpu.memory_space<vmem>>[vector<16xi32>, vector<16xi32>], vector<16xf32>,
        %mul3A_375 = arith.mulf %gather3A_374, %gather3A_357 : vector<16xf32>
        %add3A_376 = arith.addf %add3A_330, %mul3A_375 : vector<16xf32>
        %add3A_377 = arith.addf %add3A_331, %gather3A_374 : vector<16xf32>
        %gather3A_378 = tpu.vector_load_idx %arg5[%add3A_91, %select_n3A_356] : memref<128x128xf32, #tpu.memory_space<vmem>>[vector<16xi32>, vector<16xi32>], vector<16xf32>,
        %mul3A_379 = arith.mulf %gather3A_378, %gather3A_357 : vector<16xf32>
        %add3A_380 = arith.addf %add3A_334, %mul3A_379 : vector<16xf32>
        %add3A_381 = arith.addf %add3A_335, %gather3A_378 : vector<16xf32>
        %gather3A_382 = tpu.vector_load_idx %arg5[%add3A_95, %select_n3A_356] : memref<128x128xf32, #tpu.memory_space<vmem>>[vector<16xi32>, vector<16xi32>], vector<16xf32>,
        %mul3A_383 = arith.mulf %gather3A_382, %gather3A_357 : vector<16xf32>
        %add3A_384 = arith.addf %add3A_338, %mul3A_383 : vector<16xf32>
        %add3A_385 = arith.addf %add3A_339, %gather3A_382 : vector<16xf32>
        %gather3A_386 = tpu.vector_load_idx %arg5[%add3A_99, %select_n3A_356] : memref<128x128xf32, #tpu.memory_space<vmem>>[vector<16xi32>, vector<16xi32>], vector<16xf32>,
        %mul3A_387 = arith.mulf %gather3A_386, %gather3A_357 : vector<16xf32>
        %add3A_388 = arith.addf %add3A_342, %mul3A_387 : vector<16xf32>
        %add3A_389 = arith.addf %add3A_343, %gather3A_386 : vector<16xf32>
        %mul3A_390 = arith.constant 8 : i32
        %mul3A_391 = arith.muli %scan3A_283, %mul3A_390 : i32
        %add3A_392 = arith.constant 2 : i32
        %add3A_393 = arith.addi %mul3A_391, %add3A_392 : i32
        %add3A_394 = vector.broadcast %add3A_393 : i32 to vector<16xi32>
        %add3A_395 = arith.addi %add3A_394, %iota3A_101 : vector<16xi32>
        %ge3A_396 = arith.constant 128 : i32
        %ge3A_397 = vector.broadcast %ge3A_396 : i32 to vector<16xi32>
        %ge3A_398 = arith.cmpi sge, %add3A_395, %ge3A_397 : vector<16xi32>
        %sub3A_399 = arith.constant 128 : i32
        %sub3A_400 = vector.broadcast %sub3A_399 : i32 to vector<16xi32>
        %sub3A_401 = arith.subi %add3A_395, %sub3A_400 : vector<16xi32>
        %select_n3A_402 = arith.select %ge3A_398, %sub3A_401, %add3A_395 : vector<16xi1>, vector<16xi32>
        %gather3A_403 = tpu.vector_load_idx %arg7[%select_n3A_402] : memref<128xf32, #tpu.memory_space<vmem>>[vector<16xi32>], vector<16xf32>,
        %gather3A_404 = tpu.vector_load_idx %arg5[%add3A_71, %select_n3A_402] : memref<128x128xf32, #tpu.memory_space<vmem>>[vector<16xi32>, vector<16xi32>], vector<16xf32>,
        %mul3A_405 = arith.mulf %gather3A_404, %gather3A_403 : vector<16xf32>
        %add3A_406 = arith.addf %add3A_360, %mul3A_405 : vector<16xf32>
        %add3A_407 = arith.addf %add3A_361, %gather3A_404 : vector<16xf32>
        %gather3A_408 = tpu.vector_load_idx %arg5[%add3A_75, %select_n3A_402] : memref<128x128xf32, #tpu.memory_space<vmem>>[vector<16xi32>, vector<16xi32>], vector<16xf32>,
        %mul3A_409 = arith.mulf %gather3A_408, %gather3A_403 : vector<16xf32>
        %add3A_410 = arith.addf %add3A_364, %mul3A_409 : vector<16xf32>
        %add3A_411 = arith.addf %add3A_365, %gather3A_408 : vector<16xf32>
        %gather3A_412 = tpu.vector_load_idx %arg5[%add3A_79, %select_n3A_402] : memref<128x128xf32, #tpu.memory_space<vmem>>[vector<16xi32>, vector<16xi32>], vector<16xf32>,
        %mul3A_413 = arith.mulf %gather3A_412, %gather3A_403 : vector<16xf32>
        %add3A_414 = arith.addf %add3A_368, %mul3A_413 : vector<16xf32>
        %add3A_415 = arith.addf %add3A_369, %gather3A_412 : vector<16xf32>
        %gather3A_416 = tpu.vector_load_idx %arg5[%add3A_83, %select_n3A_402] : memref<128x128xf32, #tpu.memory_space<vmem>>[vector<16xi32>, vector<16xi32>], vector<16xf32>,
        %mul3A_417 = arith.mulf %gather3A_416, %gather3A_403 : vector<16xf32>
        %add3A_418 = arith.addf %add3A_372, %mul3A_417 : vector<16xf32>
        %add3A_419 = arith.addf %add3A_373, %gather3A_416 : vector<16xf32>
        %gather3A_420 = tpu.vector_load_idx %arg5[%add3A_87, %select_n3A_402] : memref<128x128xf32, #tpu.memory_space<vmem>>[vector<16xi32>, vector<16xi32>], vector<16xf32>,
        %mul3A_421 = arith.mulf %gather3A_420, %gather3A_403 : vector<16xf32>
        %add3A_422 = arith.addf %add3A_376, %mul3A_421 : vector<16xf32>
        %add3A_423 = arith.addf %add3A_377, %gather3A_420 : vector<16xf32>
        %gather3A_424 = tpu.vector_load_idx %arg5[%add3A_91, %select_n3A_402] : memref<128x128xf32, #tpu.memory_space<vmem>>[vector<16xi32>, vector<16xi32>], vector<16xf32>,
        %mul3A_425 = arith.mulf %gather3A_424, %gather3A_403 : vector<16xf32>
        %add3A_426 = arith.addf %add3A_380, %mul3A_425 : vector<16xf32>
        %add3A_427 = arith.addf %add3A_381, %gather3A_424 : vector<16xf32>
        %gather3A_428 = tpu.vector_load_idx %arg5[%add3A_95, %select_n3A_402] : memref<128x128xf32, #tpu.memory_space<vmem>>[vector<16xi32>, vector<16xi32>], vector<16xf32>,
        %mul3A_429 = arith.mulf %gather3A_428, %gather3A_403 : vector<16xf32>
        %add3A_430 = arith.addf %add3A_384, %mul3A_429 : vector<16xf32>
        %add3A_431 = arith.addf %add3A_385, %gather3A_428 : vector<16xf32>
        %gather3A_432 = tpu.vector_load_idx %arg5[%add3A_99, %select_n3A_402] : memref<128x128xf32, #tpu.memory_space<vmem>>[vector<16xi32>, vector<16xi32>], vector<16xf32>,
        %mul3A_433 = arith.mulf %gather3A_432, %gather3A_403 : vector<16xf32>
        %add3A_434 = arith.addf %add3A_388, %mul3A_433 : vector<16xf32>
        %add3A_435 = arith.addf %add3A_389, %gather3A_432 : vector<16xf32>
        %mul3A_436 = arith.constant 8 : i32
        %mul3A_437 = arith.muli %scan3A_283, %mul3A_436 : i32
        %add3A_438 = arith.constant 3 : i32
        %add3A_439 = arith.addi %mul3A_437, %add3A_438 : i32
        %add3A_440 = vector.broadcast %add3A_439 : i32 to vector<16xi32>
        %add3A_441 = arith.addi %add3A_440, %iota3A_101 : vector<16xi32>
        %ge3A_442 = arith.constant 128 : i32
        %ge3A_443 = vector.broadcast %ge3A_442 : i32 to vector<16xi32>
        %ge3A_444 = arith.cmpi sge, %add3A_441, %ge3A_443 : vector<16xi32>
        %sub3A_445 = arith.constant 128 : i32
        %sub3A_446 = vector.broadcast %sub3A_445 : i32 to vector<16xi32>
        %sub3A_447 = arith.subi %add3A_441, %sub3A_446 : vector<16xi32>
        %select_n3A_448 = arith.select %ge3A_444, %sub3A_447, %add3A_441 : vector<16xi1>, vector<16xi32>
        %gather3A_449 = tpu.vector_load_idx %arg7[%select_n3A_448] : memref<128xf32, #tpu.memory_space<vmem>>[vector<16xi32>], vector<16xf32>,
        %gather3A_450 = tpu.vector_load_idx %arg5[%add3A_71, %select_n3A_448] : memref<128x128xf32, #tpu.memory_space<vmem>>[vector<16xi32>, vector<16xi32>], vector<16xf32>,
        %mul3A_451 = arith.mulf %gather3A_450, %gather3A_449 : vector<16xf32>
        %add3A_452 = arith.addf %add3A_406, %mul3A_451 : vector<16xf32>
        %add3A_453 = arith.addf %add3A_407, %gather3A_450 : vector<16xf32>
        %gather3A_454 = tpu.vector_load_idx %arg5[%add3A_75, %select_n3A_448] : memref<128x128xf32, #tpu.memory_space<vmem>>[vector<16xi32>, vector<16xi32>], vector<16xf32>,
        %mul3A_455 = arith.mulf %gather3A_454, %gather3A_449 : vector<16xf32>
        %add3A_456 = arith.addf %add3A_410, %mul3A_455 : vector<16xf32>
        %add3A_457 = arith.addf %add3A_411, %gather3A_454 : vector<16xf32>
        %gather3A_458 = tpu.vector_load_idx %arg5[%add3A_79, %select_n3A_448] : memref<128x128xf32, #tpu.memory_space<vmem>>[vector<16xi32>, vector<16xi32>], vector<16xf32>,
        %mul3A_459 = arith.mulf %gather3A_458, %gather3A_449 : vector<16xf32>
        %add3A_460 = arith.addf %add3A_414, %mul3A_459 : vector<16xf32>
        %add3A_461 = arith.addf %add3A_415, %gather3A_458 : vector<16xf32>
        %gather3A_462 = tpu.vector_load_idx %arg5[%add3A_83, %select_n3A_448] : memref<128x128xf32, #tpu.memory_space<vmem>>[vector<16xi32>, vector<16xi32>], vector<16xf32>,
        %mul3A_463 = arith.mulf %gather3A_462, %gather3A_449 : vector<16xf32>
        %add3A_464 = arith.addf %add3A_418, %mul3A_463 : vector<16xf32>
        %add3A_465 = arith.addf %add3A_419, %gather3A_462 : vector<16xf32>
        %gather3A_466 = tpu.vector_load_idx %arg5[%add3A_87, %select_n3A_448] : memref<128x128xf32, #tpu.memory_space<vmem>>[vector<16xi32>, vector<16xi32>], vector<16xf32>,
        %mul3A_467 = arith.mulf %gather3A_466, %gather3A_449 : vector<16xf32>
        %add3A_468 = arith.addf %add3A_422, %mul3A_467 : vector<16xf32>
        %add3A_469 = arith.addf %add3A_423, %gather3A_466 : vector<16xf32>
        %gather3A_470 = tpu.vector_load_idx %arg5[%add3A_91, %select_n3A_448] : memref<128x128xf32, #tpu.memory_space<vmem>>[vector<16xi32>, vector<16xi32>], vector<16xf32>,
        %mul3A_471 = arith.mulf %gather3A_470, %gather3A_449 : vector<16xf32>
        %add3A_472 = arith.addf %add3A_426, %mul3A_471 : vector<16xf32>
        %add3A_473 = arith.addf %add3A_427, %gather3A_470 : vector<16xf32>
        %gather3A_474 = tpu.vector_load_idx %arg5[%add3A_95, %select_n3A_448] : memref<128x128xf32, #tpu.memory_space<vmem>>[vector<16xi32>, vector<16xi32>], vector<16xf32>,
        %mul3A_475 = arith.mulf %gather3A_474, %gather3A_449 : vector<16xf32>
        %add3A_476 = arith.addf %add3A_430, %mul3A_475 : vector<16xf32>
        %add3A_477 = arith.addf %add3A_431, %gather3A_474 : vector<16xf32>
        %gather3A_478 = tpu.vector_load_idx %arg5[%add3A_99, %select_n3A_448] : memref<128x128xf32, #tpu.memory_space<vmem>>[vector<16xi32>, vector<16xi32>], vector<16xf32>,
        %mul3A_479 = arith.mulf %gather3A_478, %gather3A_449 : vector<16xf32>
        %add3A_480 = arith.addf %add3A_434, %mul3A_479 : vector<16xf32>
        %add3A_481 = arith.addf %add3A_435, %gather3A_478 : vector<16xf32>
        %mul3A_482 = arith.constant 8 : i32
        %mul3A_483 = arith.muli %scan3A_283, %mul3A_482 : i32
        %add3A_484 = arith.constant 4 : i32
        %add3A_485 = arith.addi %mul3A_483, %add3A_484 : i32
        %add3A_486 = vector.broadcast %add3A_485 : i32 to vector<16xi32>
        %add3A_487 = arith.addi %add3A_486, %iota3A_101 : vector<16xi32>
        %ge3A_488 = arith.constant 128 : i32
        %ge3A_489 = vector.broadcast %ge3A_488 : i32 to vector<16xi32>
        %ge3A_490 = arith.cmpi sge, %add3A_487, %ge3A_489 : vector<16xi32>
        %sub3A_491 = arith.constant 128 : i32
        %sub3A_492 = vector.broadcast %sub3A_491 : i32 to vector<16xi32>
        %sub3A_493 = arith.subi %add3A_487, %sub3A_492 : vector<16xi32>
        %select_n3A_494 = arith.select %ge3A_490, %sub3A_493, %add3A_487 : vector<16xi1>, vector<16xi32>
        %gather3A_495 = tpu.vector_load_idx %arg7[%select_n3A_494] : memref<128xf32, #tpu.memory_space<vmem>>[vector<16xi32>], vector<16xf32>,
        %gather3A_496 = tpu.vector_load_idx %arg5[%add3A_71, %select_n3A_494] : memref<128x128xf32, #tpu.memory_space<vmem>>[vector<16xi32>, vector<16xi32>], vector<16xf32>,
        %mul3A_497 = arith.mulf %gather3A_496, %gather3A_495 : vector<16xf32>
        %add3A_498 = arith.addf %add3A_452, %mul3A_497 : vector<16xf32>
        %add3A_499 = arith.addf %add3A_453, %gather3A_496 : vector<16xf32>
        %gather3A_500 = tpu.vector_load_idx %arg5[%add3A_75, %select_n3A_494] : memref<128x128xf32, #tpu.memory_space<vmem>>[vector<16xi32>, vector<16xi32>], vector<16xf32>,
        %mul3A_501 = arith.mulf %gather3A_500, %gather3A_495 : vector<16xf32>
        %add3A_502 = arith.addf %add3A_456, %mul3A_501 : vector<16xf32>
        %add3A_503 = arith.addf %add3A_457, %gather3A_500 : vector<16xf32>
        %gather3A_504 = tpu.vector_load_idx %arg5[%add3A_79, %select_n3A_494] : memref<128x128xf32, #tpu.memory_space<vmem>>[vector<16xi32>, vector<16xi32>], vector<16xf32>,
        %mul3A_505 = arith.mulf %gather3A_504, %gather3A_495 : vector<16xf32>
        %add3A_506 = arith.addf %add3A_460, %mul3A_505 : vector<16xf32>
        %add3A_507 = arith.addf %add3A_461, %gather3A_504 : vector<16xf32>
        %gather3A_508 = tpu.vector_load_idx %arg5[%add3A_83, %select_n3A_494] : memref<128x128xf32, #tpu.memory_space<vmem>>[vector<16xi32>, vector<16xi32>], vector<16xf32>,
        %mul3A_509 = arith.mulf %gather3A_508, %gather3A_495 : vector<16xf32>
        %add3A_510 = arith.addf %add3A_464, %mul3A_509 : vector<16xf32>
        %add3A_511 = arith.addf %add3A_465, %gather3A_508 : vector<16xf32>
        %gather3A_512 = tpu.vector_load_idx %arg5[%add3A_87, %select_n3A_494] : memref<128x128xf32, #tpu.memory_space<vmem>>[vector<16xi32>, vector<16xi32>], vector<16xf32>,
        %mul3A_513 = arith.mulf %gather3A_512, %gather3A_495 : vector<16xf32>
        %add3A_514 = arith.addf %add3A_468, %mul3A_513 : vector<16xf32>
        %add3A_515 = arith.addf %add3A_469, %gather3A_512 : vector<16xf32>
        %gather3A_516 = tpu.vector_load_idx %arg5[%add3A_91, %select_n3A_494] : memref<128x128xf32, #tpu.memory_space<vmem>>[vector<16xi32>, vector<16xi32>], vector<16xf32>,
        %mul3A_517 = arith.mulf %gather3A_516, %gather3A_495 : vector<16xf32>
        %add3A_518 = arith.addf %add3A_472, %mul3A_517 : vector<16xf32>
        %add3A_519 = arith.addf %add3A_473, %gather3A_516 : vector<16xf32>
        %gather3A_520 = tpu.vector_load_idx %arg5[%add3A_95, %select_n3A_494] : memref<128x128xf32, #tpu.memory_space<vmem>>[vector<16xi32>, vector<16xi32>], vector<16xf32>,
        %mul3A_521 = arith.mulf %gather3A_520, %gather3A_495 : vector<16xf32>
        %add3A_522 = arith.addf %add3A_476, %mul3A_521 : vector<16xf32>
        %add3A_523 = arith.addf %add3A_477, %gather3A_520 : vector<16xf32>
        %gather3A_524 = tpu.vector_load_idx %arg5[%add3A_99, %select_n3A_494] : memref<128x128xf32, #tpu.memory_space<vmem>>[vector<16xi32>, vector<16xi32>], vector<16xf32>,
        %mul3A_525 = arith.mulf %gather3A_524, %gather3A_495 : vector<16xf32>
        %add3A_526 = arith.addf %add3A_480, %mul3A_525 : vector<16xf32>
        %add3A_527 = arith.addf %add3A_481, %gather3A_524 : vector<16xf32>
        %mul3A_528 = arith.constant 8 : i32
        %mul3A_529 = arith.muli %scan3A_283, %mul3A_528 : i32
        %add3A_530 = arith.constant 5 : i32
        %add3A_531 = arith.addi %mul3A_529, %add3A_530 : i32
        %add3A_532 = vector.broadcast %add3A_531 : i32 to vector<16xi32>
        %add3A_533 = arith.addi %add3A_532, %iota3A_101 : vector<16xi32>
        %ge3A_534 = arith.constant 128 : i32
        %ge3A_535 = vector.broadcast %ge3A_534 : i32 to vector<16xi32>
        %ge3A_536 = arith.cmpi sge, %add3A_533, %ge3A_535 : vector<16xi32>
        %sub3A_537 = arith.constant 128 : i32
        %sub3A_538 = vector.broadcast %sub3A_537 : i32 to vector<16xi32>
        %sub3A_539 = arith.subi %add3A_533, %sub3A_538 : vector<16xi32>
        %select_n3A_540 = arith.select %ge3A_536, %sub3A_539, %add3A_533 : vector<16xi1>, vector<16xi32>
        %gather3A_541 = tpu.vector_load_idx %arg7[%select_n3A_540] : memref<128xf32, #tpu.memory_space<vmem>>[vector<16xi32>], vector<16xf32>,
        %gather3A_542 = tpu.vector_load_idx %arg5[%add3A_71, %select_n3A_540] : memref<128x128xf32, #tpu.memory_space<vmem>>[vector<16xi32>, vector<16xi32>], vector<16xf32>,
        %mul3A_543 = arith.mulf %gather3A_542, %gather3A_541 : vector<16xf32>
        %add3A_544 = arith.addf %add3A_498, %mul3A_543 : vector<16xf32>
        %add3A_545 = arith.addf %add3A_499, %gather3A_542 : vector<16xf32>
        %gather3A_546 = tpu.vector_load_idx %arg5[%add3A_75, %select_n3A_540] : memref<128x128xf32, #tpu.memory_space<vmem>>[vector<16xi32>, vector<16xi32>], vector<16xf32>,
        %mul3A_547 = arith.mulf %gather3A_546, %gather3A_541 : vector<16xf32>
        %add3A_548 = arith.addf %add3A_502, %mul3A_547 : vector<16xf32>
        %add3A_549 = arith.addf %add3A_503, %gather3A_546 : vector<16xf32>
        %gather3A_550 = tpu.vector_load_idx %arg5[%add3A_79, %select_n3A_540] : memref<128x128xf32, #tpu.memory_space<vmem>>[vector<16xi32>, vector<16xi32>], vector<16xf32>,
        %mul3A_551 = arith.mulf %gather3A_550, %gather3A_541 : vector<16xf32>
        %add3A_552 = arith.addf %add3A_506, %mul3A_551 : vector<16xf32>
        %add3A_553 = arith.addf %add3A_507, %gather3A_550 : vector<16xf32>
        %gather3A_554 = tpu.vector_load_idx %arg5[%add3A_83, %select_n3A_540] : memref<128x128xf32, #tpu.memory_space<vmem>>[vector<16xi32>, vector<16xi32>], vector<16xf32>,
        %mul3A_555 = arith.mulf %gather3A_554, %gather3A_541 : vector<16xf32>
        %add3A_556 = arith.addf %add3A_510, %mul3A_555 : vector<16xf32>
        %add3A_557 = arith.addf %add3A_511, %gather3A_554 : vector<16xf32>
        %gather3A_558 = tpu.vector_load_idx %arg5[%add3A_87, %select_n3A_540] : memref<128x128xf32, #tpu.memory_space<vmem>>[vector<16xi32>, vector<16xi32>], vector<16xf32>,
        %mul3A_559 = arith.mulf %gather3A_558, %gather3A_541 : vector<16xf32>
        %add3A_560 = arith.addf %add3A_514, %mul3A_559 : vector<16xf32>
        %add3A_561 = arith.addf %add3A_515, %gather3A_558 : vector<16xf32>
        %gather3A_562 = tpu.vector_load_idx %arg5[%add3A_91, %select_n3A_540] : memref<128x128xf32, #tpu.memory_space<vmem>>[vector<16xi32>, vector<16xi32>], vector<16xf32>,
        %mul3A_563 = arith.mulf %gather3A_562, %gather3A_541 : vector<16xf32>
        %add3A_564 = arith.addf %add3A_518, %mul3A_563 : vector<16xf32>
        %add3A_565 = arith.addf %add3A_519, %gather3A_562 : vector<16xf32>
        %gather3A_566 = tpu.vector_load_idx %arg5[%add3A_95, %select_n3A_540] : memref<128x128xf32, #tpu.memory_space<vmem>>[vector<16xi32>, vector<16xi32>], vector<16xf32>,
        %mul3A_567 = arith.mulf %gather3A_566, %gather3A_541 : vector<16xf32>
        %add3A_568 = arith.addf %add3A_522, %mul3A_567 : vector<16xf32>
        %add3A_569 = arith.addf %add3A_523, %gather3A_566 : vector<16xf32>
        %gather3A_570 = tpu.vector_load_idx %arg5[%add3A_99, %select_n3A_540] : memref<128x128xf32, #tpu.memory_space<vmem>>[vector<16xi32>, vector<16xi32>], vector<16xf32>,
        %mul3A_571 = arith.mulf %gather3A_570, %gather3A_541 : vector<16xf32>
        %add3A_572 = arith.addf %add3A_526, %mul3A_571 : vector<16xf32>
        %add3A_573 = arith.addf %add3A_527, %gather3A_570 : vector<16xf32>
        %mul3A_574 = arith.constant 8 : i32
        %mul3A_575 = arith.muli %scan3A_283, %mul3A_574 : i32
        %add3A_576 = arith.constant 6 : i32
        %add3A_577 = arith.addi %mul3A_575, %add3A_576 : i32
        %add3A_578 = vector.broadcast %add3A_577 : i32 to vector<16xi32>
        %add3A_579 = arith.addi %add3A_578, %iota3A_101 : vector<16xi32>
        %ge3A_580 = arith.constant 128 : i32
        %ge3A_581 = vector.broadcast %ge3A_580 : i32 to vector<16xi32>
        %ge3A_582 = arith.cmpi sge, %add3A_579, %ge3A_581 : vector<16xi32>
        %sub3A_583 = arith.constant 128 : i32
        %sub3A_584 = vector.broadcast %sub3A_583 : i32 to vector<16xi32>
        %sub3A_585 = arith.subi %add3A_579, %sub3A_584 : vector<16xi32>
        %select_n3A_586 = arith.select %ge3A_582, %sub3A_585, %add3A_579 : vector<16xi1>, vector<16xi32>
        %gather3A_587 = tpu.vector_load_idx %arg7[%select_n3A_586] : memref<128xf32, #tpu.memory_space<vmem>>[vector<16xi32>], vector<16xf32>,
        %gather3A_588 = tpu.vector_load_idx %arg5[%add3A_71, %select_n3A_586] : memref<128x128xf32, #tpu.memory_space<vmem>>[vector<16xi32>, vector<16xi32>], vector<16xf32>,
        %mul3A_589 = arith.mulf %gather3A_588, %gather3A_587 : vector<16xf32>
        %add3A_590 = arith.addf %add3A_544, %mul3A_589 : vector<16xf32>
        %add3A_591 = arith.addf %add3A_545, %gather3A_588 : vector<16xf32>
        %gather3A_592 = tpu.vector_load_idx %arg5[%add3A_75, %select_n3A_586] : memref<128x128xf32, #tpu.memory_space<vmem>>[vector<16xi32>, vector<16xi32>], vector<16xf32>,
        %mul3A_593 = arith.mulf %gather3A_592, %gather3A_587 : vector<16xf32>
        %add3A_594 = arith.addf %add3A_548, %mul3A_593 : vector<16xf32>
        %add3A_595 = arith.addf %add3A_549, %gather3A_592 : vector<16xf32>
        %gather3A_596 = tpu.vector_load_idx %arg5[%add3A_79, %select_n3A_586] : memref<128x128xf32, #tpu.memory_space<vmem>>[vector<16xi32>, vector<16xi32>], vector<16xf32>,
        %mul3A_597 = arith.mulf %gather3A_596, %gather3A_587 : vector<16xf32>
        %add3A_598 = arith.addf %add3A_552, %mul3A_597 : vector<16xf32>
        %add3A_599 = arith.addf %add3A_553, %gather3A_596 : vector<16xf32>
        %gather3A_600 = tpu.vector_load_idx %arg5[%add3A_83, %select_n3A_586] : memref<128x128xf32, #tpu.memory_space<vmem>>[vector<16xi32>, vector<16xi32>], vector<16xf32>,
        %mul3A_601 = arith.mulf %gather3A_600, %gather3A_587 : vector<16xf32>
        %add3A_602 = arith.addf %add3A_556, %mul3A_601 : vector<16xf32>
        %add3A_603 = arith.addf %add3A_557, %gather3A_600 : vector<16xf32>
        %gather3A_604 = tpu.vector_load_idx %arg5[%add3A_87, %select_n3A_586] : memref<128x128xf32, #tpu.memory_space<vmem>>[vector<16xi32>, vector<16xi32>], vector<16xf32>,
        %mul3A_605 = arith.mulf %gather3A_604, %gather3A_587 : vector<16xf32>
        %add3A_606 = arith.addf %add3A_560, %mul3A_605 : vector<16xf32>
        %add3A_607 = arith.addf %add3A_561, %gather3A_604 : vector<16xf32>
        %gather3A_608 = tpu.vector_load_idx %arg5[%add3A_91, %select_n3A_586] : memref<128x128xf32, #tpu.memory_space<vmem>>[vector<16xi32>, vector<16xi32>], vector<16xf32>,
        %mul3A_609 = arith.mulf %gather3A_608, %gather3A_587 : vector<16xf32>
        %add3A_610 = arith.addf %add3A_564, %mul3A_609 : vector<16xf32>
        %add3A_611 = arith.addf %add3A_565, %gather3A_608 : vector<16xf32>
        %gather3A_612 = tpu.vector_load_idx %arg5[%add3A_95, %select_n3A_586] : memref<128x128xf32, #tpu.memory_space<vmem>>[vector<16xi32>, vector<16xi32>], vector<16xf32>,
        %mul3A_613 = arith.mulf %gather3A_612, %gather3A_587 : vector<16xf32>
        %add3A_614 = arith.addf %add3A_568, %mul3A_613 : vector<16xf32>
        %add3A_615 = arith.addf %add3A_569, %gather3A_612 : vector<16xf32>
        %gather3A_616 = tpu.vector_load_idx %arg5[%add3A_99, %select_n3A_586] : memref<128x128xf32, #tpu.memory_space<vmem>>[vector<16xi32>, vector<16xi32>], vector<16xf32>,
        %mul3A_617 = arith.mulf %gather3A_616, %gather3A_587 : vector<16xf32>
        %add3A_618 = arith.addf %add3A_572, %mul3A_617 : vector<16xf32>
        %add3A_619 = arith.addf %add3A_573, %gather3A_616 : vector<16xf32>
        %mul3A_620 = arith.constant 8 : i32
        %mul3A_621 = arith.muli %scan3A_283, %mul3A_620 : i32
        %add3A_622 = arith.constant 7 : i32
        %add3A_623 = arith.addi %mul3A_621, %add3A_622 : i32
        %add3A_624 = vector.broadcast %add3A_623 : i32 to vector<16xi32>
        %add3A_625 = arith.addi %add3A_624, %iota3A_101 : vector<16xi32>
        %ge3A_626 = arith.constant 128 : i32
        %ge3A_627 = vector.broadcast %ge3A_626 : i32 to vector<16xi32>
        %ge3A_628 = arith.cmpi sge, %add3A_625, %ge3A_627 : vector<16xi32>
        %sub3A_629 = arith.constant 128 : i32
        %sub3A_630 = vector.broadcast %sub3A_629 : i32 to vector<16xi32>
        %sub3A_631 = arith.subi %add3A_625, %sub3A_630 : vector<16xi32>
        %select_n3A_632 = arith.select %ge3A_628, %sub3A_631, %add3A_625 : vector<16xi1>, vector<16xi32>
        %gather3A_633 = tpu.vector_load_idx %arg7[%select_n3A_632] : memref<128xf32, #tpu.memory_space<vmem>>[vector<16xi32>], vector<16xf32>,
        %gather3A_634 = tpu.vector_load_idx %arg5[%add3A_71, %select_n3A_632] : memref<128x128xf32, #tpu.memory_space<vmem>>[vector<16xi32>, vector<16xi32>], vector<16xf32>,
        %mul3A_635 = arith.mulf %gather3A_634, %gather3A_633 : vector<16xf32>
        %add3A_636 = arith.addf %add3A_590, %mul3A_635 : vector<16xf32>
        %add3A_637 = arith.addf %add3A_591, %gather3A_634 : vector<16xf32>
        %gather3A_638 = tpu.vector_load_idx %arg5[%add3A_75, %select_n3A_632] : memref<128x128xf32, #tpu.memory_space<vmem>>[vector<16xi32>, vector<16xi32>], vector<16xf32>,
        %mul3A_639 = arith.mulf %gather3A_638, %gather3A_633 : vector<16xf32>
        %add3A_640 = arith.addf %add3A_594, %mul3A_639 : vector<16xf32>
        %add3A_641 = arith.addf %add3A_595, %gather3A_638 : vector<16xf32>
        %gather3A_642 = tpu.vector_load_idx %arg5[%add3A_79, %select_n3A_632] : memref<128x128xf32, #tpu.memory_space<vmem>>[vector<16xi32>, vector<16xi32>], vector<16xf32>,
        %mul3A_643 = arith.mulf %gather3A_642, %gather3A_633 : vector<16xf32>
        %add3A_644 = arith.addf %add3A_598, %mul3A_643 : vector<16xf32>
        %add3A_645 = arith.addf %add3A_599, %gather3A_642 : vector<16xf32>
        %gather3A_646 = tpu.vector_load_idx %arg5[%add3A_83, %select_n3A_632] : memref<128x128xf32, #tpu.memory_space<vmem>>[vector<16xi32>, vector<16xi32>], vector<16xf32>,
        %mul3A_647 = arith.mulf %gather3A_646, %gather3A_633 : vector<16xf32>
        %add3A_648 = arith.addf %add3A_602, %mul3A_647 : vector<16xf32>
        %add3A_649 = arith.addf %add3A_603, %gather3A_646 : vector<16xf32>
        %gather3A_650 = tpu.vector_load_idx %arg5[%add3A_87, %select_n3A_632] : memref<128x128xf32, #tpu.memory_space<vmem>>[vector<16xi32>, vector<16xi32>], vector<16xf32>,
        %mul3A_651 = arith.mulf %gather3A_650, %gather3A_633 : vector<16xf32>
        %add3A_652 = arith.addf %add3A_606, %mul3A_651 : vector<16xf32>
        %add3A_653 = arith.addf %add3A_607, %gather3A_650 : vector<16xf32>
        %gather3A_654 = tpu.vector_load_idx %arg5[%add3A_91, %select_n3A_632] : memref<128x128xf32, #tpu.memory_space<vmem>>[vector<16xi32>, vector<16xi32>], vector<16xf32>,
        %mul3A_655 = arith.mulf %gather3A_654, %gather3A_633 : vector<16xf32>
        %add3A_656 = arith.addf %add3A_610, %mul3A_655 : vector<16xf32>
        %add3A_657 = arith.addf %add3A_611, %gather3A_654 : vector<16xf32>
        %gather3A_658 = tpu.vector_load_idx %arg5[%add3A_95, %select_n3A_632] : memref<128x128xf32, #tpu.memory_space<vmem>>[vector<16xi32>, vector<16xi32>], vector<16xf32>,
        %mul3A_659 = arith.mulf %gather3A_658, %gather3A_633 : vector<16xf32>
        %add3A_660 = arith.addf %add3A_614, %mul3A_659 : vector<16xf32>
        %add3A_661 = arith.addf %add3A_615, %gather3A_658 : vector<16xf32>
        %gather3A_662 = tpu.vector_load_idx %arg5[%add3A_99, %select_n3A_632] : memref<128x128xf32, #tpu.memory_space<vmem>>[vector<16xi32>, vector<16xi32>], vector<16xf32>,
        %mul3A_663 = arith.mulf %gather3A_662, %gather3A_633 : vector<16xf32>
        %add3A_664 = arith.addf %add3A_618, %mul3A_663 : vector<16xf32>
        %add3A_665 = arith.addf %add3A_619, %gather3A_662 : vector<16xf32>
        scf.yield %add3A_636, %add3A_640, %add3A_644, %add3A_648, %add3A_652, %add3A_656, %add3A_660, %add3A_664, %add3A_637, %add3A_641, %add3A_645, %add3A_649, %add3A_653, %add3A_657, %add3A_661, %add3A_665 : vector<16xf32>, vector<16xf32>, vector<16xf32>, vector<16xf32>, vector<16xf32>, vector<16xf32>, vector<16xf32>, vector<16xf32>, vector<16xf32>, vector<16xf32>, vector<16xf32>, vector<16xf32>, vector<16xf32>, vector<16xf32>, vector<16xf32>, vector<16xf32>
      }
      %scan3A_107 = arith.constant 16 : i32
      %add3A_108 = arith.constant 9.99999993E-9 : f32
      %add3A_109 = vector.broadcast %add3A_108 : f32 to vector<16xf32>
      %add3A_110 = arith.addf %scan3A_106#8, %add3A_109 : vector<16xf32>
      %div3A_111 = arith.divf %scan3A_106#0, %add3A_110 : vector<16xf32>
      %swap3A = arith.index_cast %mul3A_61 : i32 to index
      %swap3A_112 = arith.constant 0 : index
      %swap3A_113 = tpu.vector_load %arg8[%swap3A, %swap3A_112] {strides = array<i32>} : memref<8x128xf32, #tpu.memory_space<vmem>>, vector<16xf32>,
      tpu.vector_store %arg8[%swap3A, %swap3A_112], %div3A_111 {strides = array<i32>} : memref<8x128xf32, #tpu.memory_space<vmem>>, vector<16xf32>,
      %add3A_114 = arith.constant 9.99999993E-9 : f32
      %add3A_115 = vector.broadcast %add3A_114 : f32 to vector<16xf32>
      %add3A_116 = arith.addf %scan3A_106#9, %add3A_115 : vector<16xf32>
      %div3A_117 = arith.divf %scan3A_106#1, %add3A_116 : vector<16xf32>
      %swap3A_118 = arith.index_cast %mul3A_61 : i32 to index
      %swap3A_119 = arith.constant 16 : index
      %swap3A_120 = tpu.vector_load %arg8[%swap3A_118, %swap3A_119] {strides = array<i32>} : memref<8x128xf32, #tpu.memory_space<vmem>>, vector<16xf32>,
      tpu.vector_store %arg8[%swap3A_118, %swap3A_119], %div3A_117 {strides = array<i32>} : memref<8x128xf32, #tpu.memory_space<vmem>>, vector<16xf32>,
      %add3A_121 = arith.constant 9.99999993E-9 : f32
      %add3A_122 = vector.broadcast %add3A_121 : f32 to vector<16xf32>
      %add3A_123 = arith.addf %scan3A_106#10, %add3A_122 : vector<16xf32>
      %div3A_124 = arith.divf %scan3A_106#2, %add3A_123 : vector<16xf32>
      %swap3A_125 = arith.index_cast %mul3A_61 : i32 to index
      %swap3A_126 = arith.constant 32 : index
      %swap3A_127 = tpu.vector_load %arg8[%swap3A_125, %swap3A_126] {strides = array<i32>} : memref<8x128xf32, #tpu.memory_space<vmem>>, vector<16xf32>,
      tpu.vector_store %arg8[%swap3A_125, %swap3A_126], %div3A_124 {strides = array<i32>} : memref<8x128xf32, #tpu.memory_space<vmem>>, vector<16xf32>,
      %add3A_128 = arith.constant 9.99999993E-9 : f32
      %add3A_129 = vector.broadcast %add3A_128 : f32 to vector<16xf32>
      %add3A_130 = arith.addf %scan3A_106#11, %add3A_129 : vector<16xf32>
      %div3A_131 = arith.divf %scan3A_106#3, %add3A_130 : vector<16xf32>
      %swap3A_132 = arith.index_cast %mul3A_61 : i32 to index
      %swap3A_133 = arith.constant 48 : index
      %swap3A_134 = tpu.vector_load %arg8[%swap3A_132, %swap3A_133] {strides = array<i32>} : memref<8x128xf32, #tpu.memory_space<vmem>>, vector<16xf32>,
      tpu.vector_store %arg8[%swap3A_132, %swap3A_133], %div3A_131 {strides = array<i32>} : memref<8x128xf32, #tpu.memory_space<vmem>>, vector<16xf32>,
      %add3A_135 = arith.constant 9.99999993E-9 : f32
      %add3A_136 = vector.broadcast %add3A_135 : f32 to vector<16xf32>
      %add3A_137 = arith.addf %scan3A_106#12, %add3A_136 : vector<16xf32>
      %div3A_138 = arith.divf %scan3A_106#4, %add3A_137 : vector<16xf32>
      %swap3A_139 = arith.index_cast %mul3A_61 : i32 to index
      %swap3A_140 = arith.constant 64 : index
      %swap3A_141 = tpu.vector_load %arg8[%swap3A_139, %swap3A_140] {strides = array<i32>} : memref<8x128xf32, #tpu.memory_space<vmem>>, vector<16xf32>,
      tpu.vector_store %arg8[%swap3A_139, %swap3A_140], %div3A_138 {strides = array<i32>} : memref<8x128xf32, #tpu.memory_space<vmem>>, vector<16xf32>,
      %add3A_142 = arith.constant 9.99999993E-9 : f32
      %add3A_143 = vector.broadcast %add3A_142 : f32 to vector<16xf32>
      %add3A_144 = arith.addf %scan3A_106#13, %add3A_143 : vector<16xf32>
      %div3A_145 = arith.divf %scan3A_106#5, %add3A_144 : vector<16xf32>
      %swap3A_146 = arith.index_cast %mul3A_61 : i32 to index
      %swap3A_147 = arith.constant 80 : index
      %swap3A_148 = tpu.vector_load %arg8[%swap3A_146, %swap3A_147] {strides = array<i32>} : memref<8x128xf32, #tpu.memory_space<vmem>>, vector<16xf32>,
      tpu.vector_store %arg8[%swap3A_146, %swap3A_147], %div3A_145 {strides = array<i32>} : memref<8x128xf32, #tpu.memory_space<vmem>>, vector<16xf32>,
      %add3A_149 = arith.constant 9.99999993E-9 : f32
      %add3A_150 = vector.broadcast %add3A_149 : f32 to vector<16xf32>
      %add3A_151 = arith.addf %scan3A_106#14, %add3A_150 : vector<16xf32>
      %div3A_152 = arith.divf %scan3A_106#6, %add3A_151 : vector<16xf32>
      %swap3A_153 = arith.index_cast %mul3A_61 : i32 to index
      %swap3A_154 = arith.constant 96 : index
      %swap3A_155 = tpu.vector_load %arg8[%swap3A_153, %swap3A_154] {strides = array<i32>} : memref<8x128xf32, #tpu.memory_space<vmem>>, vector<16xf32>,
      tpu.vector_store %arg8[%swap3A_153, %swap3A_154], %div3A_152 {strides = array<i32>} : memref<8x128xf32, #tpu.memory_space<vmem>>, vector<16xf32>,
      %add3A_156 = arith.constant 9.99999993E-9 : f32
      %add3A_157 = vector.broadcast %add3A_156 : f32 to vector<16xf32>
      %add3A_158 = arith.addf %scan3A_106#15, %add3A_157 : vector<16xf32>
      %div3A_159 = arith.divf %scan3A_106#7, %add3A_158 : vector<16xf32>
      %swap3A_160 = arith.index_cast %mul3A_61 : i32 to index
      %swap3A_161 = arith.constant 112 : index
      %swap3A_162 = tpu.vector_load %arg8[%swap3A_160, %swap3A_161] {strides = array<i32>} : memref<8x128xf32, #tpu.memory_space<vmem>>, vector<16xf32>,
      tpu.vector_store %arg8[%swap3A_160, %swap3A_161], %div3A_159 {strides = array<i32>} : memref<8x128xf32, #tpu.memory_space<vmem>>, vector<16xf32>,
      %add3A_163 = arith.constant 2 : i32
      %add3A_164 = arith.addi %mul3A_61, %add3A_163 : i32
      %lt3A_165 = arith.constant 8 : i32
      %lt3A_166 = arith.cmpi slt, %add3A_164, %lt3A_165 : i32
      %convert_element_type3A = arith.extui %lt3A_166 : i1 to i32
      %cond3A = arith.constant 0 : i32
      %cond3A_167 = arith.cmpi ne, %convert_element_type3A, %cond3A : i32
      scf.if %cond3A_167 {
        %add3A_283 = arith.addi %select_n3A_32, %mul3A_61 : i32
        %add3A_284 = arith.constant 2 : i32
        %add3A_285 = arith.addi %add3A_283, %add3A_284 : i32
        %dma_start3A_286 = arith.constant 0 : i32
        %dma_start3A_287 = arith.constant 0 : i32
        %dma_start3A_288 = tpu.memref_slice %arg2[%add3A_34, %add3A_285, %dma_start3A_286, %dma_start3A_287] : memref<16x128x128x128xf32, #tpu.memory_space<hbm>> -> memref<1x1x128x128xf32, #tpu.memory_space<hbm>>
        %dma_start3A_289 = tpu.memref_squeeze %dma_start3A_288 : memref<1x1x128x128xf32, #tpu.memory_space<hbm>> -> memref<128x128xf32, #tpu.memory_space<hbm>>
        %dma_start3A_290 = arith.constant 0 : i32
        %dma_start3A_291 = arith.constant 0 : i32
        %dma_start3A_292 = tpu.memref_slice %arg2[%add3A_34, %add3A_285, %dma_start3A_290, %dma_start3A_291] : memref<16x128x128x128xf32, #tpu.memory_space<hbm>> -> memref<1x1x128x128xf32, #tpu.memory_space<hbm>>
        %dma_start3A_293 = tpu.memref_squeeze %dma_start3A_292 : memref<1x1x128x128xf32, #tpu.memory_space<hbm>> -> memref<128x128xf32, #tpu.memory_space<hbm>>
        tpu.enqueue_dma source(%dma_start3A_293 : memref<128x128xf32, #tpu.memory_space<hbm>>) target(%arg5 : memref<128x128xf32, #tpu.memory_space<vmem>>) target_semaphore(%arg9 : memref<!tpu.dma_semaphore, #tpu.memory_space<semaphore_mem>>)
      } else {
      }
      %dma_wait3A_168 = arith.constant 0 : i32
      %dma_wait3A_169 = arith.constant 0 : i32
      %dma_wait3A_170 = tpu.memref_slice %arg2[%add3A_34, %select_n3A_32, %dma_wait3A_168, %dma_wait3A_169] : memref<16x128x128x128xf32, #tpu.memory_space<hbm>> -> memref<1x1x128x128xf32, #tpu.memory_space<hbm>>
      %dma_wait3A_171 = tpu.memref_squeeze %dma_wait3A_170 : memref<1x1x128x128xf32, #tpu.memory_space<hbm>> -> memref<128x128xf32, #tpu.memory_space<hbm>>
      %dma_wait3A_172 = arith.constant 0 : i32
      %dma_wait3A_173 = arith.constant 0 : i32
      %dma_wait3A_174 = tpu.memref_slice %arg2[%add3A_34, %select_n3A_32, %dma_wait3A_172, %dma_wait3A_173] : memref<16x128x128x128xf32, #tpu.memory_space<hbm>> -> memref<1x1x128x128xf32, #tpu.memory_space<hbm>>
      %dma_wait3A_175 = tpu.memref_squeeze %dma_wait3A_174 : memref<1x1x128x128xf32, #tpu.memory_space<hbm>> -> memref<128x128xf32, #tpu.memory_space<hbm>>
      tpu.wait_dma2 semaphore(%arg10 : memref<!tpu.dma_semaphore, #tpu.memory_space<semaphore_mem>>) src(%dma_wait3A_175 : memref<128x128xf32, #tpu.memory_space<hbm>>) dst(%arg6 : memref<128x128xf32, #tpu.memory_space<vmem>>)
      %add3A_176 = arith.constant 1 : i32
      %add3A_177 = arith.addi %mul3A_61, %add3A_176 : i32
      %iota3A_178 = tpu.iota {dimensions = array<i32: 0>} : vector<16xi32>
      %add3A_179 = arith.constant 0 : i32
      %add3A_180 = vector.broadcast %add3A_179 : i32 to vector<16xi32>
      %add3A_181 = arith.addi %add3A_180, %iota3A_178 : vector<16xi32>
      %iota3A_182 = tpu.iota {dimensions = array<i32: 0>} : vector<16xi32>
      %add3A_183 = arith.constant 16 : i32
      %add3A_184 = vector.broadcast %add3A_183 : i32 to vector<16xi32>
      %add3A_185 = arith.addi %add3A_184, %iota3A_182 : vector<16xi32>
      %iota3A_186 = tpu.iota {dimensions = array<i32: 0>} : vector<16xi32>
      %add3A_187 = arith.constant 32 : i32
      %add3A_188 = vector.broadcast %add3A_187 : i32 to vector<16xi32>
      %add3A_189 = arith.addi %add3A_188, %iota3A_186 : vector<16xi32>
      %iota3A_190 = tpu.iota {dimensions = array<i32: 0>} : vector<16xi32>
      %add3A_191 = arith.constant 48 : i32
      %add3A_192 = vector.broadcast %add3A_191 : i32 to vector<16xi32>
      %add3A_193 = arith.addi %add3A_192, %iota3A_190 : vector<16xi32>
      %iota3A_194 = tpu.iota {dimensions = array<i32: 0>} : vector<16xi32>
      %add3A_195 = arith.constant 64 : i32
      %add3A_196 = vector.broadcast %add3A_195 : i32 to vector<16xi32>
      %add3A_197 = arith.addi %add3A_196, %iota3A_194 : vector<16xi32>
      %iota3A_198 = tpu.iota {dimensions = array<i32: 0>} : vector<16xi32>
      %add3A_199 = arith.constant 80 : i32
      %add3A_200 = vector.broadcast %add3A_199 : i32 to vector<16xi32>
      %add3A_201 = arith.addi %add3A_200, %iota3A_198 : vector<16xi32>
      %iota3A_202 = tpu.iota {dimensions = array<i32: 0>} : vector<16xi32>
      %add3A_203 = arith.constant 96 : i32
      %add3A_204 = vector.broadcast %add3A_203 : i32 to vector<16xi32>
      %add3A_205 = arith.addi %add3A_204, %iota3A_202 : vector<16xi32>
      %iota3A_206 = tpu.iota {dimensions = array<i32: 0>} : vector<16xi32>
      %add3A_207 = arith.constant 112 : i32
      %add3A_208 = vector.broadcast %add3A_207 : i32 to vector<16xi32>
      %add3A_209 = arith.addi %add3A_208, %iota3A_206 : vector<16xi32>
      %broadcast_in_dim3A_210 = arith.constant 0.000000e+00 : f32
      %broadcast_in_dim3A_211 = vector.broadcast %broadcast_in_dim3A_210 : f32 to vector<16xf32>
      %iota3A_212 = tpu.iota {dimensions = array<i32: 0>} : vector<16xi32>
      %scan3A_213 = arith.constant 0 : i32
      %scan3A_214 = arith.constant 16 : i32
      %scan3A_215 = arith.addi %scan3A_213, %scan3A_214 : i32
      %scan3A_216 = arith.constant 1 : i32
      %scan3A_217:16 = scf.for %scan3A_283 = %scan3A_213 to %scan3A_215 step %scan3A_216 iter_args(%scan3A_284 = %broadcast_in_dim3A_211, %scan3A_285 = %broadcast_in_dim3A_211, %scan3A_286 = %broadcast_in_dim3A_211, %scan3A_287 = %broadcast_in_dim3A_211, %scan3A_288 = %broadcast_in_dim3A_211, %scan3A_289 = %broadcast_in_dim3A_211, %scan3A_290 = %broadcast_in_dim3A_211, %scan3A_291 = %broadcast_in_dim3A_211, %scan3A_292 = %broadcast_in_dim3A_211, %scan3A_293 = %broadcast_in_dim3A_211, %scan3A_294 = %broadcast_in_dim3A_211, %scan3A_295 = %broadcast_in_dim3A_211, %scan3A_296 = %broadcast_in_dim3A_211, %scan3A_297 = %broadcast_in_dim3A_211, %scan3A_298 = %broadcast_in_dim3A_211, %scan3A_299 = %broadcast_in_dim3A_211) -> (vector<16xf32>, vector<16xf32>, vector<16xf32>, vector<16xf32>, vector<16xf32>, vector<16xf32>, vector<16xf32>, vector<16xf32>, vector<16xf32>, vector<16xf32>, vector<16xf32>, vector<16xf32>, vector<16xf32>, vector<16xf32>, vector<16xf32>, vector<16xf32>)  : i32 {
        %mul3A_300 = arith.constant 8 : i32
        %mul3A_301 = arith.muli %scan3A_283, %mul3A_300 : i32
        %add3A_302 = arith.constant 0 : i32
        %add3A_303 = arith.addi %mul3A_301, %add3A_302 : i32
        %add3A_304 = vector.broadcast %add3A_303 : i32 to vector<16xi32>
        %add3A_305 = arith.addi %add3A_304, %iota3A_212 : vector<16xi32>
        %ge3A = arith.constant 128 : i32
        %ge3A_306 = vector.broadcast %ge3A : i32 to vector<16xi32>
        %ge3A_307 = arith.cmpi sge, %add3A_305, %ge3A_306 : vector<16xi32>
        %sub3A_308 = arith.constant 128 : i32
        %sub3A_309 = vector.broadcast %sub3A_308 : i32 to vector<16xi32>
        %sub3A_310 = arith.subi %add3A_305, %sub3A_309 : vector<16xi32>
        %select_n3A_311 = arith.select %ge3A_307, %sub3A_310, %add3A_305 : vector<16xi1>, vector<16xi32>
        %gather3A = tpu.vector_load_idx %arg7[%select_n3A_311] : memref<128xf32, #tpu.memory_space<vmem>>[vector<16xi32>], vector<16xf32>,
        %gather3A_312 = tpu.vector_load_idx %arg6[%add3A_181, %select_n3A_311] : memref<128x128xf32, #tpu.memory_space<vmem>>[vector<16xi32>, vector<16xi32>], vector<16xf32>,
        %mul3A_313 = arith.mulf %gather3A_312, %gather3A : vector<16xf32>
        %add3A_314 = arith.addf %scan3A_284, %mul3A_313 : vector<16xf32>
        %add3A_315 = arith.addf %scan3A_292, %gather3A_312 : vector<16xf32>
        %gather3A_316 = tpu.vector_load_idx %arg6[%add3A_185, %select_n3A_311] : memref<128x128xf32, #tpu.memory_space<vmem>>[vector<16xi32>, vector<16xi32>], vector<16xf32>,
        %mul3A_317 = arith.mulf %gather3A_316, %gather3A : vector<16xf32>
        %add3A_318 = arith.addf %scan3A_285, %mul3A_317 : vector<16xf32>
        %add3A_319 = arith.addf %scan3A_293, %gather3A_316 : vector<16xf32>
        %gather3A_320 = tpu.vector_load_idx %arg6[%add3A_189, %select_n3A_311] : memref<128x128xf32, #tpu.memory_space<vmem>>[vector<16xi32>, vector<16xi32>], vector<16xf32>,
        %mul3A_321 = arith.mulf %gather3A_320, %gather3A : vector<16xf32>
        %add3A_322 = arith.addf %scan3A_286, %mul3A_321 : vector<16xf32>
        %add3A_323 = arith.addf %scan3A_294, %gather3A_320 : vector<16xf32>
        %gather3A_324 = tpu.vector_load_idx %arg6[%add3A_193, %select_n3A_311] : memref<128x128xf32, #tpu.memory_space<vmem>>[vector<16xi32>, vector<16xi32>], vector<16xf32>,
        %mul3A_325 = arith.mulf %gather3A_324, %gather3A : vector<16xf32>
        %add3A_326 = arith.addf %scan3A_287, %mul3A_325 : vector<16xf32>
        %add3A_327 = arith.addf %scan3A_295, %gather3A_324 : vector<16xf32>
        %gather3A_328 = tpu.vector_load_idx %arg6[%add3A_197, %select_n3A_311] : memref<128x128xf32, #tpu.memory_space<vmem>>[vector<16xi32>, vector<16xi32>], vector<16xf32>,
        %mul3A_329 = arith.mulf %gather3A_328, %gather3A : vector<16xf32>
        %add3A_330 = arith.addf %scan3A_288, %mul3A_329 : vector<16xf32>
        %add3A_331 = arith.addf %scan3A_296, %gather3A_328 : vector<16xf32>
        %gather3A_332 = tpu.vector_load_idx %arg6[%add3A_201, %select_n3A_311] : memref<128x128xf32, #tpu.memory_space<vmem>>[vector<16xi32>, vector<16xi32>], vector<16xf32>,
        %mul3A_333 = arith.mulf %gather3A_332, %gather3A : vector<16xf32>
        %add3A_334 = arith.addf %scan3A_289, %mul3A_333 : vector<16xf32>
        %add3A_335 = arith.addf %scan3A_297, %gather3A_332 : vector<16xf32>
        %gather3A_336 = tpu.vector_load_idx %arg6[%add3A_205, %select_n3A_311] : memref<128x128xf32, #tpu.memory_space<vmem>>[vector<16xi32>, vector<16xi32>], vector<16xf32>,
        %mul3A_337 = arith.mulf %gather3A_336, %gather3A : vector<16xf32>
        %add3A_338 = arith.addf %scan3A_290, %mul3A_337 : vector<16xf32>
        %add3A_339 = arith.addf %scan3A_298, %gather3A_336 : vector<16xf32>
        %gather3A_340 = tpu.vector_load_idx %arg6[%add3A_209, %select_n3A_311] : memref<128x128xf32, #tpu.memory_space<vmem>>[vector<16xi32>, vector<16xi32>], vector<16xf32>,
        %mul3A_341 = arith.mulf %gather3A_340, %gather3A : vector<16xf32>
        %add3A_342 = arith.addf %scan3A_291, %mul3A_341 : vector<16xf32>
        %add3A_343 = arith.addf %scan3A_299, %gather3A_340 : vector<16xf32>
        %mul3A_344 = arith.constant 8 : i32
        %mul3A_345 = arith.muli %scan3A_283, %mul3A_344 : i32
        %add3A_346 = arith.constant 1 : i32
        %add3A_347 = arith.addi %mul3A_345, %add3A_346 : i32
        %add3A_348 = vector.broadcast %add3A_347 : i32 to vector<16xi32>
        %add3A_349 = arith.addi %add3A_348, %iota3A_212 : vector<16xi32>
        %ge3A_350 = arith.constant 128 : i32
        %ge3A_351 = vector.broadcast %ge3A_350 : i32 to vector<16xi32>
        %ge3A_352 = arith.cmpi sge, %add3A_349, %ge3A_351 : vector<16xi32>
        %sub3A_353 = arith.constant 128 : i32
        %sub3A_354 = vector.broadcast %sub3A_353 : i32 to vector<16xi32>
        %sub3A_355 = arith.subi %add3A_349, %sub3A_354 : vector<16xi32>
        %select_n3A_356 = arith.select %ge3A_352, %sub3A_355, %add3A_349 : vector<16xi1>, vector<16xi32>
        %gather3A_357 = tpu.vector_load_idx %arg7[%select_n3A_356] : memref<128xf32, #tpu.memory_space<vmem>>[vector<16xi32>], vector<16xf32>,
        %gather3A_358 = tpu.vector_load_idx %arg6[%add3A_181, %select_n3A_356] : memref<128x128xf32, #tpu.memory_space<vmem>>[vector<16xi32>, vector<16xi32>], vector<16xf32>,
        %mul3A_359 = arith.mulf %gather3A_358, %gather3A_357 : vector<16xf32>
        %add3A_360 = arith.addf %add3A_314, %mul3A_359 : vector<16xf32>
        %add3A_361 = arith.addf %add3A_315, %gather3A_358 : vector<16xf32>
        %gather3A_362 = tpu.vector_load_idx %arg6[%add3A_185, %select_n3A_356] : memref<128x128xf32, #tpu.memory_space<vmem>>[vector<16xi32>, vector<16xi32>], vector<16xf32>,
        %mul3A_363 = arith.mulf %gather3A_362, %gather3A_357 : vector<16xf32>
        %add3A_364 = arith.addf %add3A_318, %mul3A_363 : vector<16xf32>
        %add3A_365 = arith.addf %add3A_319, %gather3A_362 : vector<16xf32>
        %gather3A_366 = tpu.vector_load_idx %arg6[%add3A_189, %select_n3A_356] : memref<128x128xf32, #tpu.memory_space<vmem>>[vector<16xi32>, vector<16xi32>], vector<16xf32>,
        %mul3A_367 = arith.mulf %gather3A_366, %gather3A_357 : vector<16xf32>
        %add3A_368 = arith.addf %add3A_322, %mul3A_367 : vector<16xf32>
        %add3A_369 = arith.addf %add3A_323, %gather3A_366 : vector<16xf32>
        %gather3A_370 = tpu.vector_load_idx %arg6[%add3A_193, %select_n3A_356] : memref<128x128xf32, #tpu.memory_space<vmem>>[vector<16xi32>, vector<16xi32>], vector<16xf32>,
        %mul3A_371 = arith.mulf %gather3A_370, %gather3A_357 : vector<16xf32>
        %add3A_372 = arith.addf %add3A_326, %mul3A_371 : vector<16xf32>
        %add3A_373 = arith.addf %add3A_327, %gather3A_370 : vector<16xf32>
        %gather3A_374 = tpu.vector_load_idx %arg6[%add3A_197, %select_n3A_356] : memref<128x128xf32, #tpu.memory_space<vmem>>[vector<16xi32>, vector<16xi32>], vector<16xf32>,
        %mul3A_375 = arith.mulf %gather3A_374, %gather3A_357 : vector<16xf32>
        %add3A_376 = arith.addf %add3A_330, %mul3A_375 : vector<16xf32>
        %add3A_377 = arith.addf %add3A_331, %gather3A_374 : vector<16xf32>
        %gather3A_378 = tpu.vector_load_idx %arg6[%add3A_201, %select_n3A_356] : memref<128x128xf32, #tpu.memory_space<vmem>>[vector<16xi32>, vector<16xi32>], vector<16xf32>,
        %mul3A_379 = arith.mulf %gather3A_378, %gather3A_357 : vector<16xf32>
        %add3A_380 = arith.addf %add3A_334, %mul3A_379 : vector<16xf32>
        %add3A_381 = arith.addf %add3A_335, %gather3A_378 : vector<16xf32>
        %gather3A_382 = tpu.vector_load_idx %arg6[%add3A_205, %select_n3A_356] : memref<128x128xf32, #tpu.memory_space<vmem>>[vector<16xi32>, vector<16xi32>], vector<16xf32>,
        %mul3A_383 = arith.mulf %gather3A_382, %gather3A_357 : vector<16xf32>
        %add3A_384 = arith.addf %add3A_338, %mul3A_383 : vector<16xf32>
        %add3A_385 = arith.addf %add3A_339, %gather3A_382 : vector<16xf32>
        %gather3A_386 = tpu.vector_load_idx %arg6[%add3A_209, %select_n3A_356] : memref<128x128xf32, #tpu.memory_space<vmem>>[vector<16xi32>, vector<16xi32>], vector<16xf32>,
        %mul3A_387 = arith.mulf %gather3A_386, %gather3A_357 : vector<16xf32>
        %add3A_388 = arith.addf %add3A_342, %mul3A_387 : vector<16xf32>
        %add3A_389 = arith.addf %add3A_343, %gather3A_386 : vector<16xf32>
        %mul3A_390 = arith.constant 8 : i32
        %mul3A_391 = arith.muli %scan3A_283, %mul3A_390 : i32
        %add3A_392 = arith.constant 2 : i32
        %add3A_393 = arith.addi %mul3A_391, %add3A_392 : i32
        %add3A_394 = vector.broadcast %add3A_393 : i32 to vector<16xi32>
        %add3A_395 = arith.addi %add3A_394, %iota3A_212 : vector<16xi32>
        %ge3A_396 = arith.constant 128 : i32
        %ge3A_397 = vector.broadcast %ge3A_396 : i32 to vector<16xi32>
        %ge3A_398 = arith.cmpi sge, %add3A_395, %ge3A_397 : vector<16xi32>
        %sub3A_399 = arith.constant 128 : i32
        %sub3A_400 = vector.broadcast %sub3A_399 : i32 to vector<16xi32>
        %sub3A_401 = arith.subi %add3A_395, %sub3A_400 : vector<16xi32>
        %select_n3A_402 = arith.select %ge3A_398, %sub3A_401, %add3A_395 : vector<16xi1>, vector<16xi32>
        %gather3A_403 = tpu.vector_load_idx %arg7[%select_n3A_402] : memref<128xf32, #tpu.memory_space<vmem>>[vector<16xi32>], vector<16xf32>,
        %gather3A_404 = tpu.vector_load_idx %arg6[%add3A_181, %select_n3A_402] : memref<128x128xf32, #tpu.memory_space<vmem>>[vector<16xi32>, vector<16xi32>], vector<16xf32>,
        %mul3A_405 = arith.mulf %gather3A_404, %gather3A_403 : vector<16xf32>
        %add3A_406 = arith.addf %add3A_360, %mul3A_405 : vector<16xf32>
        %add3A_407 = arith.addf %add3A_361, %gather3A_404 : vector<16xf32>
        %gather3A_408 = tpu.vector_load_idx %arg6[%add3A_185, %select_n3A_402] : memref<128x128xf32, #tpu.memory_space<vmem>>[vector<16xi32>, vector<16xi32>], vector<16xf32>,
        %mul3A_409 = arith.mulf %gather3A_408, %gather3A_403 : vector<16xf32>
        %add3A_410 = arith.addf %add3A_364, %mul3A_409 : vector<16xf32>
        %add3A_411 = arith.addf %add3A_365, %gather3A_408 : vector<16xf32>
        %gather3A_412 = tpu.vector_load_idx %arg6[%add3A_189, %select_n3A_402] : memref<128x128xf32, #tpu.memory_space<vmem>>[vector<16xi32>, vector<16xi32>], vector<16xf32>,
        %mul3A_413 = arith.mulf %gather3A_412, %gather3A_403 : vector<16xf32>
        %add3A_414 = arith.addf %add3A_368, %mul3A_413 : vector<16xf32>
        %add3A_415 = arith.addf %add3A_369, %gather3A_412 : vector<16xf32>
        %gather3A_416 = tpu.vector_load_idx %arg6[%add3A_193, %select_n3A_402] : memref<128x128xf32, #tpu.memory_space<vmem>>[vector<16xi32>, vector<16xi32>], vector<16xf32>,
        %mul3A_417 = arith.mulf %gather3A_416, %gather3A_403 : vector<16xf32>
        %add3A_418 = arith.addf %add3A_372, %mul3A_417 : vector<16xf32>
        %add3A_419 = arith.addf %add3A_373, %gather3A_416 : vector<16xf32>
        %gather3A_420 = tpu.vector_load_idx %arg6[%add3A_197, %select_n3A_402] : memref<128x128xf32, #tpu.memory_space<vmem>>[vector<16xi32>, vector<16xi32>], vector<16xf32>,
        %mul3A_421 = arith.mulf %gather3A_420, %gather3A_403 : vector<16xf32>
        %add3A_422 = arith.addf %add3A_376, %mul3A_421 : vector<16xf32>
        %add3A_423 = arith.addf %add3A_377, %gather3A_420 : vector<16xf32>
        %gather3A_424 = tpu.vector_load_idx %arg6[%add3A_201, %select_n3A_402] : memref<128x128xf32, #tpu.memory_space<vmem>>[vector<16xi32>, vector<16xi32>], vector<16xf32>,
        %mul3A_425 = arith.mulf %gather3A_424, %gather3A_403 : vector<16xf32>
        %add3A_426 = arith.addf %add3A_380, %mul3A_425 : vector<16xf32>
        %add3A_427 = arith.addf %add3A_381, %gather3A_424 : vector<16xf32>
        %gather3A_428 = tpu.vector_load_idx %arg6[%add3A_205, %select_n3A_402] : memref<128x128xf32, #tpu.memory_space<vmem>>[vector<16xi32>, vector<16xi32>], vector<16xf32>,
        %mul3A_429 = arith.mulf %gather3A_428, %gather3A_403 : vector<16xf32>
        %add3A_430 = arith.addf %add3A_384, %mul3A_429 : vector<16xf32>
        %add3A_431 = arith.addf %add3A_385, %gather3A_428 : vector<16xf32>
        %gather3A_432 = tpu.vector_load_idx %arg6[%add3A_209, %select_n3A_402] : memref<128x128xf32, #tpu.memory_space<vmem>>[vector<16xi32>, vector<16xi32>], vector<16xf32>,
        %mul3A_433 = arith.mulf %gather3A_432, %gather3A_403 : vector<16xf32>
        %add3A_434 = arith.addf %add3A_388, %mul3A_433 : vector<16xf32>
        %add3A_435 = arith.addf %add3A_389, %gather3A_432 : vector<16xf32>
        %mul3A_436 = arith.constant 8 : i32
        %mul3A_437 = arith.muli %scan3A_283, %mul3A_436 : i32
        %add3A_438 = arith.constant 3 : i32
        %add3A_439 = arith.addi %mul3A_437, %add3A_438 : i32
        %add3A_440 = vector.broadcast %add3A_439 : i32 to vector<16xi32>
        %add3A_441 = arith.addi %add3A_440, %iota3A_212 : vector<16xi32>
        %ge3A_442 = arith.constant 128 : i32
        %ge3A_443 = vector.broadcast %ge3A_442 : i32 to vector<16xi32>
        %ge3A_444 = arith.cmpi sge, %add3A_441, %ge3A_443 : vector<16xi32>
        %sub3A_445 = arith.constant 128 : i32
        %sub3A_446 = vector.broadcast %sub3A_445 : i32 to vector<16xi32>
        %sub3A_447 = arith.subi %add3A_441, %sub3A_446 : vector<16xi32>
        %select_n3A_448 = arith.select %ge3A_444, %sub3A_447, %add3A_441 : vector<16xi1>, vector<16xi32>
        %gather3A_449 = tpu.vector_load_idx %arg7[%select_n3A_448] : memref<128xf32, #tpu.memory_space<vmem>>[vector<16xi32>], vector<16xf32>,
        %gather3A_450 = tpu.vector_load_idx %arg6[%add3A_181, %select_n3A_448] : memref<128x128xf32, #tpu.memory_space<vmem>>[vector<16xi32>, vector<16xi32>], vector<16xf32>,
        %mul3A_451 = arith.mulf %gather3A_450, %gather3A_449 : vector<16xf32>
        %add3A_452 = arith.addf %add3A_406, %mul3A_451 : vector<16xf32>
        %add3A_453 = arith.addf %add3A_407, %gather3A_450 : vector<16xf32>
        %gather3A_454 = tpu.vector_load_idx %arg6[%add3A_185, %select_n3A_448] : memref<128x128xf32, #tpu.memory_space<vmem>>[vector<16xi32>, vector<16xi32>], vector<16xf32>,
        %mul3A_455 = arith.mulf %gather3A_454, %gather3A_449 : vector<16xf32>
        %add3A_456 = arith.addf %add3A_410, %mul3A_455 : vector<16xf32>
        %add3A_457 = arith.addf %add3A_411, %gather3A_454 : vector<16xf32>
        %gather3A_458 = tpu.vector_load_idx %arg6[%add3A_189, %select_n3A_448] : memref<128x128xf32, #tpu.memory_space<vmem>>[vector<16xi32>, vector<16xi32>], vector<16xf32>,
        %mul3A_459 = arith.mulf %gather3A_458, %gather3A_449 : vector<16xf32>
        %add3A_460 = arith.addf %add3A_414, %mul3A_459 : vector<16xf32>
        %add3A_461 = arith.addf %add3A_415, %gather3A_458 : vector<16xf32>
        %gather3A_462 = tpu.vector_load_idx %arg6[%add3A_193, %select_n3A_448] : memref<128x128xf32, #tpu.memory_space<vmem>>[vector<16xi32>, vector<16xi32>], vector<16xf32>,
        %mul3A_463 = arith.mulf %gather3A_462, %gather3A_449 : vector<16xf32>
        %add3A_464 = arith.addf %add3A_418, %mul3A_463 : vector<16xf32>
        %add3A_465 = arith.addf %add3A_419, %gather3A_462 : vector<16xf32>
        %gather3A_466 = tpu.vector_load_idx %arg6[%add3A_197, %select_n3A_448] : memref<128x128xf32, #tpu.memory_space<vmem>>[vector<16xi32>, vector<16xi32>], vector<16xf32>,
        %mul3A_467 = arith.mulf %gather3A_466, %gather3A_449 : vector<16xf32>
        %add3A_468 = arith.addf %add3A_422, %mul3A_467 : vector<16xf32>
        %add3A_469 = arith.addf %add3A_423, %gather3A_466 : vector<16xf32>
        %gather3A_470 = tpu.vector_load_idx %arg6[%add3A_201, %select_n3A_448] : memref<128x128xf32, #tpu.memory_space<vmem>>[vector<16xi32>, vector<16xi32>], vector<16xf32>,
        %mul3A_471 = arith.mulf %gather3A_470, %gather3A_449 : vector<16xf32>
        %add3A_472 = arith.addf %add3A_426, %mul3A_471 : vector<16xf32>
        %add3A_473 = arith.addf %add3A_427, %gather3A_470 : vector<16xf32>
        %gather3A_474 = tpu.vector_load_idx %arg6[%add3A_205, %select_n3A_448] : memref<128x128xf32, #tpu.memory_space<vmem>>[vector<16xi32>, vector<16xi32>], vector<16xf32>,
        %mul3A_475 = arith.mulf %gather3A_474, %gather3A_449 : vector<16xf32>
        %add3A_476 = arith.addf %add3A_430, %mul3A_475 : vector<16xf32>
        %add3A_477 = arith.addf %add3A_431, %gather3A_474 : vector<16xf32>
        %gather3A_478 = tpu.vector_load_idx %arg6[%add3A_209, %select_n3A_448] : memref<128x128xf32, #tpu.memory_space<vmem>>[vector<16xi32>, vector<16xi32>], vector<16xf32>,
        %mul3A_479 = arith.mulf %gather3A_478, %gather3A_449 : vector<16xf32>
        %add3A_480 = arith.addf %add3A_434, %mul3A_479 : vector<16xf32>
        %add3A_481 = arith.addf %add3A_435, %gather3A_478 : vector<16xf32>
        %mul3A_482 = arith.constant 8 : i32
        %mul3A_483 = arith.muli %scan3A_283, %mul3A_482 : i32
        %add3A_484 = arith.constant 4 : i32
        %add3A_485 = arith.addi %mul3A_483, %add3A_484 : i32
        %add3A_486 = vector.broadcast %add3A_485 : i32 to vector<16xi32>
        %add3A_487 = arith.addi %add3A_486, %iota3A_212 : vector<16xi32>
        %ge3A_488 = arith.constant 128 : i32
        %ge3A_489 = vector.broadcast %ge3A_488 : i32 to vector<16xi32>
        %ge3A_490 = arith.cmpi sge, %add3A_487, %ge3A_489 : vector<16xi32>
        %sub3A_491 = arith.constant 128 : i32
        %sub3A_492 = vector.broadcast %sub3A_491 : i32 to vector<16xi32>
        %sub3A_493 = arith.subi %add3A_487, %sub3A_492 : vector<16xi32>
        %select_n3A_494 = arith.select %ge3A_490, %sub3A_493, %add3A_487 : vector<16xi1>, vector<16xi32>
        %gather3A_495 = tpu.vector_load_idx %arg7[%select_n3A_494] : memref<128xf32, #tpu.memory_space<vmem>>[vector<16xi32>], vector<16xf32>,
        %gather3A_496 = tpu.vector_load_idx %arg6[%add3A_181, %select_n3A_494] : memref<128x128xf32, #tpu.memory_space<vmem>>[vector<16xi32>, vector<16xi32>], vector<16xf32>,
        %mul3A_497 = arith.mulf %gather3A_496, %gather3A_495 : vector<16xf32>
        %add3A_498 = arith.addf %add3A_452, %mul3A_497 : vector<16xf32>
        %add3A_499 = arith.addf %add3A_453, %gather3A_496 : vector<16xf32>
        %gather3A_500 = tpu.vector_load_idx %arg6[%add3A_185, %select_n3A_494] : memref<128x128xf32, #tpu.memory_space<vmem>>[vector<16xi32>, vector<16xi32>], vector<16xf32>,
        %mul3A_501 = arith.mulf %gather3A_500, %gather3A_495 : vector<16xf32>
        %add3A_502 = arith.addf %add3A_456, %mul3A_501 : vector<16xf32>
        %add3A_503 = arith.addf %add3A_457, %gather3A_500 : vector<16xf32>
        %gather3A_504 = tpu.vector_load_idx %arg6[%add3A_189, %select_n3A_494] : memref<128x128xf32, #tpu.memory_space<vmem>>[vector<16xi32>, vector<16xi32>], vector<16xf32>,
        %mul3A_505 = arith.mulf %gather3A_504, %gather3A_495 : vector<16xf32>
        %add3A_506 = arith.addf %add3A_460, %mul3A_505 : vector<16xf32>
        %add3A_507 = arith.addf %add3A_461, %gather3A_504 : vector<16xf32>
        %gather3A_508 = tpu.vector_load_idx %arg6[%add3A_193, %select_n3A_494] : memref<128x128xf32, #tpu.memory_space<vmem>>[vector<16xi32>, vector<16xi32>], vector<16xf32>,
        %mul3A_509 = arith.mulf %gather3A_508, %gather3A_495 : vector<16xf32>
        %add3A_510 = arith.addf %add3A_464, %mul3A_509 : vector<16xf32>
        %add3A_511 = arith.addf %add3A_465, %gather3A_508 : vector<16xf32>
        %gather3A_512 = tpu.vector_load_idx %arg6[%add3A_197, %select_n3A_494] : memref<128x128xf32, #tpu.memory_space<vmem>>[vector<16xi32>, vector<16xi32>], vector<16xf32>,
        %mul3A_513 = arith.mulf %gather3A_512, %gather3A_495 : vector<16xf32>
        %add3A_514 = arith.addf %add3A_468, %mul3A_513 : vector<16xf32>
        %add3A_515 = arith.addf %add3A_469, %gather3A_512 : vector<16xf32>
        %gather3A_516 = tpu.vector_load_idx %arg6[%add3A_201, %select_n3A_494] : memref<128x128xf32, #tpu.memory_space<vmem>>[vector<16xi32>, vector<16xi32>], vector<16xf32>,
        %mul3A_517 = arith.mulf %gather3A_516, %gather3A_495 : vector<16xf32>
        %add3A_518 = arith.addf %add3A_472, %mul3A_517 : vector<16xf32>
        %add3A_519 = arith.addf %add3A_473, %gather3A_516 : vector<16xf32>
        %gather3A_520 = tpu.vector_load_idx %arg6[%add3A_205, %select_n3A_494] : memref<128x128xf32, #tpu.memory_space<vmem>>[vector<16xi32>, vector<16xi32>], vector<16xf32>,
        %mul3A_521 = arith.mulf %gather3A_520, %gather3A_495 : vector<16xf32>
        %add3A_522 = arith.addf %add3A_476, %mul3A_521 : vector<16xf32>
        %add3A_523 = arith.addf %add3A_477, %gather3A_520 : vector<16xf32>
        %gather3A_524 = tpu.vector_load_idx %arg6[%add3A_209, %select_n3A_494] : memref<128x128xf32, #tpu.memory_space<vmem>>[vector<16xi32>, vector<16xi32>], vector<16xf32>,
        %mul3A_525 = arith.mulf %gather3A_524, %gather3A_495 : vector<16xf32>
        %add3A_526 = arith.addf %add3A_480, %mul3A_525 : vector<16xf32>
        %add3A_527 = arith.addf %add3A_481, %gather3A_524 : vector<16xf32>
        %mul3A_528 = arith.constant 8 : i32
        %mul3A_529 = arith.muli %scan3A_283, %mul3A_528 : i32
        %add3A_530 = arith.constant 5 : i32
        %add3A_531 = arith.addi %mul3A_529, %add3A_530 : i32
        %add3A_532 = vector.broadcast %add3A_531 : i32 to vector<16xi32>
        %add3A_533 = arith.addi %add3A_532, %iota3A_212 : vector<16xi32>
        %ge3A_534 = arith.constant 128 : i32
        %ge3A_535 = vector.broadcast %ge3A_534 : i32 to vector<16xi32>
        %ge3A_536 = arith.cmpi sge, %add3A_533, %ge3A_535 : vector<16xi32>
        %sub3A_537 = arith.constant 128 : i32
        %sub3A_538 = vector.broadcast %sub3A_537 : i32 to vector<16xi32>
        %sub3A_539 = arith.subi %add3A_533, %sub3A_538 : vector<16xi32>
        %select_n3A_540 = arith.select %ge3A_536, %sub3A_539, %add3A_533 : vector<16xi1>, vector<16xi32>
        %gather3A_541 = tpu.vector_load_idx %arg7[%select_n3A_540] : memref<128xf32, #tpu.memory_space<vmem>>[vector<16xi32>], vector<16xf32>,
        %gather3A_542 = tpu.vector_load_idx %arg6[%add3A_181, %select_n3A_540] : memref<128x128xf32, #tpu.memory_space<vmem>>[vector<16xi32>, vector<16xi32>], vector<16xf32>,
        %mul3A_543 = arith.mulf %gather3A_542, %gather3A_541 : vector<16xf32>
        %add3A_544 = arith.addf %add3A_498, %mul3A_543 : vector<16xf32>
        %add3A_545 = arith.addf %add3A_499, %gather3A_542 : vector<16xf32>
        %gather3A_546 = tpu.vector_load_idx %arg6[%add3A_185, %select_n3A_540] : memref<128x128xf32, #tpu.memory_space<vmem>>[vector<16xi32>, vector<16xi32>], vector<16xf32>,
        %mul3A_547 = arith.mulf %gather3A_546, %gather3A_541 : vector<16xf32>
        %add3A_548 = arith.addf %add3A_502, %mul3A_547 : vector<16xf32>
        %add3A_549 = arith.addf %add3A_503, %gather3A_546 : vector<16xf32>
        %gather3A_550 = tpu.vector_load_idx %arg6[%add3A_189, %select_n3A_540] : memref<128x128xf32, #tpu.memory_space<vmem>>[vector<16xi32>, vector<16xi32>], vector<16xf32>,
        %mul3A_551 = arith.mulf %gather3A_550, %gather3A_541 : vector<16xf32>
        %add3A_552 = arith.addf %add3A_506, %mul3A_551 : vector<16xf32>
        %add3A_553 = arith.addf %add3A_507, %gather3A_550 : vector<16xf32>
        %gather3A_554 = tpu.vector_load_idx %arg6[%add3A_193, %select_n3A_540] : memref<128x128xf32, #tpu.memory_space<vmem>>[vector<16xi32>, vector<16xi32>], vector<16xf32>,
        %mul3A_555 = arith.mulf %gather3A_554, %gather3A_541 : vector<16xf32>
        %add3A_556 = arith.addf %add3A_510, %mul3A_555 : vector<16xf32>
        %add3A_557 = arith.addf %add3A_511, %gather3A_554 : vector<16xf32>
        %gather3A_558 = tpu.vector_load_idx %arg6[%add3A_197, %select_n3A_540] : memref<128x128xf32, #tpu.memory_space<vmem>>[vector<16xi32>, vector<16xi32>], vector<16xf32>,
        %mul3A_559 = arith.mulf %gather3A_558, %gather3A_541 : vector<16xf32>
        %add3A_560 = arith.addf %add3A_514, %mul3A_559 : vector<16xf32>
        %add3A_561 = arith.addf %add3A_515, %gather3A_558 : vector<16xf32>
        %gather3A_562 = tpu.vector_load_idx %arg6[%add3A_201, %select_n3A_540] : memref<128x128xf32, #tpu.memory_space<vmem>>[vector<16xi32>, vector<16xi32>], vector<16xf32>,
        %mul3A_563 = arith.mulf %gather3A_562, %gather3A_541 : vector<16xf32>
        %add3A_564 = arith.addf %add3A_518, %mul3A_563 : vector<16xf32>
        %add3A_565 = arith.addf %add3A_519, %gather3A_562 : vector<16xf32>
        %gather3A_566 = tpu.vector_load_idx %arg6[%add3A_205, %select_n3A_540] : memref<128x128xf32, #tpu.memory_space<vmem>>[vector<16xi32>, vector<16xi32>], vector<16xf32>,
        %mul3A_567 = arith.mulf %gather3A_566, %gather3A_541 : vector<16xf32>
        %add3A_568 = arith.addf %add3A_522, %mul3A_567 : vector<16xf32>
        %add3A_569 = arith.addf %add3A_523, %gather3A_566 : vector<16xf32>
        %gather3A_570 = tpu.vector_load_idx %arg6[%add3A_209, %select_n3A_540] : memref<128x128xf32, #tpu.memory_space<vmem>>[vector<16xi32>, vector<16xi32>], vector<16xf32>,
        %mul3A_571 = arith.mulf %gather3A_570, %gather3A_541 : vector<16xf32>
        %add3A_572 = arith.addf %add3A_526, %mul3A_571 : vector<16xf32>
        %add3A_573 = arith.addf %add3A_527, %gather3A_570 : vector<16xf32>
        %mul3A_574 = arith.constant 8 : i32
        %mul3A_575 = arith.muli %scan3A_283, %mul3A_574 : i32
        %add3A_576 = arith.constant 6 : i32
        %add3A_577 = arith.addi %mul3A_575, %add3A_576 : i32
        %add3A_578 = vector.broadcast %add3A_577 : i32 to vector<16xi32>
        %add3A_579 = arith.addi %add3A_578, %iota3A_212 : vector<16xi32>
        %ge3A_580 = arith.constant 128 : i32
        %ge3A_581 = vector.broadcast %ge3A_580 : i32 to vector<16xi32>
        %ge3A_582 = arith.cmpi sge, %add3A_579, %ge3A_581 : vector<16xi32>
        %sub3A_583 = arith.constant 128 : i32
        %sub3A_584 = vector.broadcast %sub3A_583 : i32 to vector<16xi32>
        %sub3A_585 = arith.subi %add3A_579, %sub3A_584 : vector<16xi32>
        %select_n3A_586 = arith.select %ge3A_582, %sub3A_585, %add3A_579 : vector<16xi1>, vector<16xi32>
        %gather3A_587 = tpu.vector_load_idx %arg7[%select_n3A_586] : memref<128xf32, #tpu.memory_space<vmem>>[vector<16xi32>], vector<16xf32>,
        %gather3A_588 = tpu.vector_load_idx %arg6[%add3A_181, %select_n3A_586] : memref<128x128xf32, #tpu.memory_space<vmem>>[vector<16xi32>, vector<16xi32>], vector<16xf32>,
        %mul3A_589 = arith.mulf %gather3A_588, %gather3A_587 : vector<16xf32>
        %add3A_590 = arith.addf %add3A_544, %mul3A_589 : vector<16xf32>
        %add3A_591 = arith.addf %add3A_545, %gather3A_588 : vector<16xf32>
        %gather3A_592 = tpu.vector_load_idx %arg6[%add3A_185, %select_n3A_586] : memref<128x128xf32, #tpu.memory_space<vmem>>[vector<16xi32>, vector<16xi32>], vector<16xf32>,
        %mul3A_593 = arith.mulf %gather3A_592, %gather3A_587 : vector<16xf32>
        %add3A_594 = arith.addf %add3A_548, %mul3A_593 : vector<16xf32>
        %add3A_595 = arith.addf %add3A_549, %gather3A_592 : vector<16xf32>
        %gather3A_596 = tpu.vector_load_idx %arg6[%add3A_189, %select_n3A_586] : memref<128x128xf32, #tpu.memory_space<vmem>>[vector<16xi32>, vector<16xi32>], vector<16xf32>,
        %mul3A_597 = arith.mulf %gather3A_596, %gather3A_587 : vector<16xf32>
        %add3A_598 = arith.addf %add3A_552, %mul3A_597 : vector<16xf32>
        %add3A_599 = arith.addf %add3A_553, %gather3A_596 : vector<16xf32>
        %gather3A_600 = tpu.vector_load_idx %arg6[%add3A_193, %select_n3A_586] : memref<128x128xf32, #tpu.memory_space<vmem>>[vector<16xi32>, vector<16xi32>], vector<16xf32>,
        %mul3A_601 = arith.mulf %gather3A_600, %gather3A_587 : vector<16xf32>
        %add3A_602 = arith.addf %add3A_556, %mul3A_601 : vector<16xf32>
        %add3A_603 = arith.addf %add3A_557, %gather3A_600 : vector<16xf32>
        %gather3A_604 = tpu.vector_load_idx %arg6[%add3A_197, %select_n3A_586] : memref<128x128xf32, #tpu.memory_space<vmem>>[vector<16xi32>, vector<16xi32>], vector<16xf32>,
        %mul3A_605 = arith.mulf %gather3A_604, %gather3A_587 : vector<16xf32>
        %add3A_606 = arith.addf %add3A_560, %mul3A_605 : vector<16xf32>
        %add3A_607 = arith.addf %add3A_561, %gather3A_604 : vector<16xf32>
        %gather3A_608 = tpu.vector_load_idx %arg6[%add3A_201, %select_n3A_586] : memref<128x128xf32, #tpu.memory_space<vmem>>[vector<16xi32>, vector<16xi32>], vector<16xf32>,
        %mul3A_609 = arith.mulf %gather3A_608, %gather3A_587 : vector<16xf32>
        %add3A_610 = arith.addf %add3A_564, %mul3A_609 : vector<16xf32>
        %add3A_611 = arith.addf %add3A_565, %gather3A_608 : vector<16xf32>
        %gather3A_612 = tpu.vector_load_idx %arg6[%add3A_205, %select_n3A_586] : memref<128x128xf32, #tpu.memory_space<vmem>>[vector<16xi32>, vector<16xi32>], vector<16xf32>,
        %mul3A_613 = arith.mulf %gather3A_612, %gather3A_587 : vector<16xf32>
        %add3A_614 = arith.addf %add3A_568, %mul3A_613 : vector<16xf32>
        %add3A_615 = arith.addf %add3A_569, %gather3A_612 : vector<16xf32>
        %gather3A_616 = tpu.vector_load_idx %arg6[%add3A_209, %select_n3A_586] : memref<128x128xf32, #tpu.memory_space<vmem>>[vector<16xi32>, vector<16xi32>], vector<16xf32>,
        %mul3A_617 = arith.mulf %gather3A_616, %gather3A_587 : vector<16xf32>
        %add3A_618 = arith.addf %add3A_572, %mul3A_617 : vector<16xf32>
        %add3A_619 = arith.addf %add3A_573, %gather3A_616 : vector<16xf32>
        %mul3A_620 = arith.constant 8 : i32
        %mul3A_621 = arith.muli %scan3A_283, %mul3A_620 : i32
        %add3A_622 = arith.constant 7 : i32
        %add3A_623 = arith.addi %mul3A_621, %add3A_622 : i32
        %add3A_624 = vector.broadcast %add3A_623 : i32 to vector<16xi32>
        %add3A_625 = arith.addi %add3A_624, %iota3A_212 : vector<16xi32>
        %ge3A_626 = arith.constant 128 : i32
        %ge3A_627 = vector.broadcast %ge3A_626 : i32 to vector<16xi32>
        %ge3A_628 = arith.cmpi sge, %add3A_625, %ge3A_627 : vector<16xi32>
        %sub3A_629 = arith.constant 128 : i32
        %sub3A_630 = vector.broadcast %sub3A_629 : i32 to vector<16xi32>
        %sub3A_631 = arith.subi %add3A_625, %sub3A_630 : vector<16xi32>
        %select_n3A_632 = arith.select %ge3A_628, %sub3A_631, %add3A_625 : vector<16xi1>, vector<16xi32>
        %gather3A_633 = tpu.vector_load_idx %arg7[%select_n3A_632] : memref<128xf32, #tpu.memory_space<vmem>>[vector<16xi32>], vector<16xf32>,
        %gather3A_634 = tpu.vector_load_idx %arg6[%add3A_181, %select_n3A_632] : memref<128x128xf32, #tpu.memory_space<vmem>>[vector<16xi32>, vector<16xi32>], vector<16xf32>,
        %mul3A_635 = arith.mulf %gather3A_634, %gather3A_633 : vector<16xf32>
        %add3A_636 = arith.addf %add3A_590, %mul3A_635 : vector<16xf32>
        %add3A_637 = arith.addf %add3A_591, %gather3A_634 : vector<16xf32>
        %gather3A_638 = tpu.vector_load_idx %arg6[%add3A_185, %select_n3A_632] : memref<128x128xf32, #tpu.memory_space<vmem>>[vector<16xi32>, vector<16xi32>], vector<16xf32>,
        %mul3A_639 = arith.mulf %gather3A_638, %gather3A_633 : vector<16xf32>
        %add3A_640 = arith.addf %add3A_594, %mul3A_639 : vector<16xf32>
        %add3A_641 = arith.addf %add3A_595, %gather3A_638 : vector<16xf32>
        %gather3A_642 = tpu.vector_load_idx %arg6[%add3A_189, %select_n3A_632] : memref<128x128xf32, #tpu.memory_space<vmem>>[vector<16xi32>, vector<16xi32>], vector<16xf32>,
        %mul3A_643 = arith.mulf %gather3A_642, %gather3A_633 : vector<16xf32>
        %add3A_644 = arith.addf %add3A_598, %mul3A_643 : vector<16xf32>
        %add3A_645 = arith.addf %add3A_599, %gather3A_642 : vector<16xf32>
        %gather3A_646 = tpu.vector_load_idx %arg6[%add3A_193, %select_n3A_632] : memref<128x128xf32, #tpu.memory_space<vmem>>[vector<16xi32>, vector<16xi32>], vector<16xf32>,
        %mul3A_647 = arith.mulf %gather3A_646, %gather3A_633 : vector<16xf32>
        %add3A_648 = arith.addf %add3A_602, %mul3A_647 : vector<16xf32>
        %add3A_649 = arith.addf %add3A_603, %gather3A_646 : vector<16xf32>
        %gather3A_650 = tpu.vector_load_idx %arg6[%add3A_197, %select_n3A_632] : memref<128x128xf32, #tpu.memory_space<vmem>>[vector<16xi32>, vector<16xi32>], vector<16xf32>,
        %mul3A_651 = arith.mulf %gather3A_650, %gather3A_633 : vector<16xf32>
        %add3A_652 = arith.addf %add3A_606, %mul3A_651 : vector<16xf32>
        %add3A_653 = arith.addf %add3A_607, %gather3A_650 : vector<16xf32>
        %gather3A_654 = tpu.vector_load_idx %arg6[%add3A_201, %select_n3A_632] : memref<128x128xf32, #tpu.memory_space<vmem>>[vector<16xi32>, vector<16xi32>], vector<16xf32>,
        %mul3A_655 = arith.mulf %gather3A_654, %gather3A_633 : vector<16xf32>
        %add3A_656 = arith.addf %add3A_610, %mul3A_655 : vector<16xf32>
        %add3A_657 = arith.addf %add3A_611, %gather3A_654 : vector<16xf32>
        %gather3A_658 = tpu.vector_load_idx %arg6[%add3A_205, %select_n3A_632] : memref<128x128xf32, #tpu.memory_space<vmem>>[vector<16xi32>, vector<16xi32>], vector<16xf32>,
        %mul3A_659 = arith.mulf %gather3A_658, %gather3A_633 : vector<16xf32>
        %add3A_660 = arith.addf %add3A_614, %mul3A_659 : vector<16xf32>
        %add3A_661 = arith.addf %add3A_615, %gather3A_658 : vector<16xf32>
        %gather3A_662 = tpu.vector_load_idx %arg6[%add3A_209, %select_n3A_632] : memref<128x128xf32, #tpu.memory_space<vmem>>[vector<16xi32>, vector<16xi32>], vector<16xf32>,
        %mul3A_663 = arith.mulf %gather3A_662, %gather3A_633 : vector<16xf32>
        %add3A_664 = arith.addf %add3A_618, %mul3A_663 : vector<16xf32>
        %add3A_665 = arith.addf %add3A_619, %gather3A_662 : vector<16xf32>
        scf.yield %add3A_636, %add3A_640, %add3A_644, %add3A_648, %add3A_652, %add3A_656, %add3A_660, %add3A_664, %add3A_637, %add3A_641, %add3A_645, %add3A_649, %add3A_653, %add3A_657, %add3A_661, %add3A_665 : vector<16xf32>, vector<16xf32>, vector<16xf32>, vector<16xf32>, vector<16xf32>, vector<16xf32>, vector<16xf32>, vector<16xf32>, vector<16xf32>, vector<16xf32>, vector<16xf32>, vector<16xf32>, vector<16xf32>, vector<16xf32>, vector<16xf32>, vector<16xf32>
      }
      %scan3A_218 = arith.constant 16 : i32
      %add3A_219 = arith.constant 9.99999993E-9 : f32
      %add3A_220 = vector.broadcast %add3A_219 : f32 to vector<16xf32>
      %add3A_221 = arith.addf %scan3A_217#8, %add3A_220 : vector<16xf32>
      %div3A_222 = arith.divf %scan3A_217#0, %add3A_221 : vector<16xf32>
      %swap3A_223 = arith.index_cast %add3A_177 : i32 to index
      %swap3A_224 = arith.constant 0 : index
      %swap3A_225 = tpu.vector_load %arg8[%swap3A_223, %swap3A_224] {strides = array<i32>} : memref<8x128xf32, #tpu.memory_space<vmem>>, vector<16xf32>,
      tpu.vector_store %arg8[%swap3A_223, %swap3A_224], %div3A_222 {strides = array<i32>} : memref<8x128xf32, #tpu.memory_space<vmem>>, vector<16xf32>,
      %add3A_226 = arith.constant 9.99999993E-9 : f32
      %add3A_227 = vector.broadcast %add3A_226 : f32 to vector<16xf32>
      %add3A_228 = arith.addf %scan3A_217#9, %add3A_227 : vector<16xf32>
      %div3A_229 = arith.divf %scan3A_217#1, %add3A_228 : vector<16xf32>
      %swap3A_230 = arith.index_cast %add3A_177 : i32 to index
      %swap3A_231 = arith.constant 16 : index
      %swap3A_232 = tpu.vector_load %arg8[%swap3A_230, %swap3A_231] {strides = array<i32>} : memref<8x128xf32, #tpu.memory_space<vmem>>, vector<16xf32>,
      tpu.vector_store %arg8[%swap3A_230, %swap3A_231], %div3A_229 {strides = array<i32>} : memref<8x128xf32, #tpu.memory_space<vmem>>, vector<16xf32>,
      %add3A_233 = arith.constant 9.99999993E-9 : f32
      %add3A_234 = vector.broadcast %add3A_233 : f32 to vector<16xf32>
      %add3A_235 = arith.addf %scan3A_217#10, %add3A_234 : vector<16xf32>
      %div3A_236 = arith.divf %scan3A_217#2, %add3A_235 : vector<16xf32>
      %swap3A_237 = arith.index_cast %add3A_177 : i32 to index
      %swap3A_238 = arith.constant 32 : index
      %swap3A_239 = tpu.vector_load %arg8[%swap3A_237, %swap3A_238] {strides = array<i32>} : memref<8x128xf32, #tpu.memory_space<vmem>>, vector<16xf32>,
      tpu.vector_store %arg8[%swap3A_237, %swap3A_238], %div3A_236 {strides = array<i32>} : memref<8x128xf32, #tpu.memory_space<vmem>>, vector<16xf32>,
      %add3A_240 = arith.constant 9.99999993E-9 : f32
      %add3A_241 = vector.broadcast %add3A_240 : f32 to vector<16xf32>
      %add3A_242 = arith.addf %scan3A_217#11, %add3A_241 : vector<16xf32>
      %div3A_243 = arith.divf %scan3A_217#3, %add3A_242 : vector<16xf32>
      %swap3A_244 = arith.index_cast %add3A_177 : i32 to index
      %swap3A_245 = arith.constant 48 : index
      %swap3A_246 = tpu.vector_load %arg8[%swap3A_244, %swap3A_245] {strides = array<i32>} : memref<8x128xf32, #tpu.memory_space<vmem>>, vector<16xf32>,
      tpu.vector_store %arg8[%swap3A_244, %swap3A_245], %div3A_243 {strides = array<i32>} : memref<8x128xf32, #tpu.memory_space<vmem>>, vector<16xf32>,
      %add3A_247 = arith.constant 9.99999993E-9 : f32
      %add3A_248 = vector.broadcast %add3A_247 : f32 to vector<16xf32>
      %add3A_249 = arith.addf %scan3A_217#12, %add3A_248 : vector<16xf32>
      %div3A_250 = arith.divf %scan3A_217#4, %add3A_249 : vector<16xf32>
      %swap3A_251 = arith.index_cast %add3A_177 : i32 to index
      %swap3A_252 = arith.constant 64 : index
      %swap3A_253 = tpu.vector_load %arg8[%swap3A_251, %swap3A_252] {strides = array<i32>} : memref<8x128xf32, #tpu.memory_space<vmem>>, vector<16xf32>,
      tpu.vector_store %arg8[%swap3A_251, %swap3A_252], %div3A_250 {strides = array<i32>} : memref<8x128xf32, #tpu.memory_space<vmem>>, vector<16xf32>,
      %add3A_254 = arith.constant 9.99999993E-9 : f32
      %add3A_255 = vector.broadcast %add3A_254 : f32 to vector<16xf32>
      %add3A_256 = arith.addf %scan3A_217#13, %add3A_255 : vector<16xf32>
      %div3A_257 = arith.divf %scan3A_217#5, %add3A_256 : vector<16xf32>
      %swap3A_258 = arith.index_cast %add3A_177 : i32 to index
      %swap3A_259 = arith.constant 80 : index
      %swap3A_260 = tpu.vector_load %arg8[%swap3A_258, %swap3A_259] {strides = array<i32>} : memref<8x128xf32, #tpu.memory_space<vmem>>, vector<16xf32>,
      tpu.vector_store %arg8[%swap3A_258, %swap3A_259], %div3A_257 {strides = array<i32>} : memref<8x128xf32, #tpu.memory_space<vmem>>, vector<16xf32>,
      %add3A_261 = arith.constant 9.99999993E-9 : f32
      %add3A_262 = vector.broadcast %add3A_261 : f32 to vector<16xf32>
      %add3A_263 = arith.addf %scan3A_217#14, %add3A_262 : vector<16xf32>
      %div3A_264 = arith.divf %scan3A_217#6, %add3A_263 : vector<16xf32>
      %swap3A_265 = arith.index_cast %add3A_177 : i32 to index
      %swap3A_266 = arith.constant 96 : index
      %swap3A_267 = tpu.vector_load %arg8[%swap3A_265, %swap3A_266] {strides = array<i32>} : memref<8x128xf32, #tpu.memory_space<vmem>>, vector<16xf32>,
      tpu.vector_store %arg8[%swap3A_265, %swap3A_266], %div3A_264 {strides = array<i32>} : memref<8x128xf32, #tpu.memory_space<vmem>>, vector<16xf32>,
      %add3A_268 = arith.constant 9.99999993E-9 : f32
      %add3A_269 = vector.broadcast %add3A_268 : f32 to vector<16xf32>
      %add3A_270 = arith.addf %scan3A_217#15, %add3A_269 : vector<16xf32>
      %div3A_271 = arith.divf %scan3A_217#7, %add3A_270 : vector<16xf32>
      %swap3A_272 = arith.index_cast %add3A_177 : i32 to index
      %swap3A_273 = arith.constant 112 : index
      %swap3A_274 = tpu.vector_load %arg8[%swap3A_272, %swap3A_273] {strides = array<i32>} : memref<8x128xf32, #tpu.memory_space<vmem>>, vector<16xf32>,
      tpu.vector_store %arg8[%swap3A_272, %swap3A_273], %div3A_271 {strides = array<i32>} : memref<8x128xf32, #tpu.memory_space<vmem>>, vector<16xf32>,
      %add3A_275 = arith.constant 3 : i32
      %add3A_276 = arith.addi %mul3A_61, %add3A_275 : i32
      %lt3A_277 = arith.constant 8 : i32
      %lt3A_278 = arith.cmpi slt, %add3A_276, %lt3A_277 : i32
      %convert_element_type3A_279 = arith.extui %lt3A_278 : i1 to i32
      %cond3A_280 = arith.constant 0 : i32
      %cond3A_281 = arith.cmpi ne, %convert_element_type3A_279, %cond3A_280 : i32
      scf.if %cond3A_281 {
        %add3A_283 = arith.addi %select_n3A_32, %mul3A_61 : i32
        %add3A_284 = arith.constant 3 : i32
        %add3A_285 = arith.addi %add3A_283, %add3A_284 : i32
        %dma_start3A_286 = arith.constant 0 : i32
        %dma_start3A_287 = arith.constant 0 : i32
        %dma_start3A_288 = tpu.memref_slice %arg2[%add3A_34, %add3A_285, %dma_start3A_286, %dma_start3A_287] : memref<16x128x128x128xf32, #tpu.memory_space<hbm>> -> memref<1x1x128x128xf32, #tpu.memory_space<hbm>>
        %dma_start3A_289 = tpu.memref_squeeze %dma_start3A_288 : memref<1x1x128x128xf32, #tpu.memory_space<hbm>> -> memref<128x128xf32, #tpu.memory_space<hbm>>
        %dma_start3A_290 = arith.constant 0 : i32
        %dma_start3A_291 = arith.constant 0 : i32
        %dma_start3A_292 = tpu.memref_slice %arg2[%add3A_34, %add3A_285, %dma_start3A_290, %dma_start3A_291] : memref<16x128x128x128xf32, #tpu.memory_space<hbm>> -> memref<1x1x128x128xf32, #tpu.memory_space<hbm>>
        %dma_start3A_293 = tpu.memref_squeeze %dma_start3A_292 : memref<1x1x128x128xf32, #tpu.memory_space<hbm>> -> memref<128x128xf32, #tpu.memory_space<hbm>>
        tpu.enqueue_dma source(%dma_start3A_293 : memref<128x128xf32, #tpu.memory_space<hbm>>) target(%arg6 : memref<128x128xf32, #tpu.memory_space<vmem>>) target_semaphore(%arg10 : memref<!tpu.dma_semaphore, #tpu.memory_space<semaphore_mem>>)
      } else {
      }
      %scan3A_282 = arith.constant 0 : i32
      scf.yield %scan3A_282 : i32
    }
    %scan3A_57 = arith.constant 4 : i32
    "tpu.region"() ({
      %run_scoped3A = tpu.sem_alloc : memref<!tpu.dma_semaphore, #tpu.memory_space<semaphore_mem>>
      %dma_start3A_58 = arith.constant 0 : i32
      %dma_start3A_59 = tpu.memref_slice %arg4[%select_n3A, %select_n3A_32, %dma_start3A_58] : memref<2x128x128xf32, #tpu.memory_space<hbm>> -> memref<1x8x128xf32, #tpu.memory_space<hbm>>
      %dma_start3A_60 = tpu.memref_squeeze %dma_start3A_59 : memref<1x8x128xf32, #tpu.memory_space<hbm>> -> memref<8x128xf32, #tpu.memory_space<hbm>>
      %dma_start3A_61 = arith.constant 0 : i32
      %dma_start3A_62 = tpu.memref_slice %arg4[%select_n3A, %select_n3A_32, %dma_start3A_61] : memref<2x128x128xf32, #tpu.memory_space<hbm>> -> memref<1x8x128xf32, #tpu.memory_space<hbm>>
      %dma_start3A_63 = tpu.memref_squeeze %dma_start3A_62 : memref<1x8x128xf32, #tpu.memory_space<hbm>> -> memref<8x128xf32, #tpu.memory_space<hbm>>
      tpu.enqueue_dma source(%arg8 : memref<8x128xf32, #tpu.memory_space<vmem>>) target(%dma_start3A_63 : memref<8x128xf32, #tpu.memory_space<hbm>>) target_semaphore(%run_scoped3A : memref<!tpu.dma_semaphore, #tpu.memory_space<semaphore_mem>>)
      %dma_wait3A = arith.constant 0 : i32
      %dma_wait3A_64 = tpu.memref_slice %arg4[%select_n3A, %select_n3A_32, %dma_wait3A] : memref<2x128x128xf32, #tpu.memory_space<hbm>> -> memref<1x8x128xf32, #tpu.memory_space<hbm>>
      %dma_wait3A_65 = tpu.memref_squeeze %dma_wait3A_64 : memref<1x8x128xf32, #tpu.memory_space<hbm>> -> memref<8x128xf32, #tpu.memory_space<hbm>>
      %dma_wait3A_66 = arith.constant 0 : i32
      %dma_wait3A_67 = tpu.memref_slice %arg4[%select_n3A, %select_n3A_32, %dma_wait3A_66] : memref<2x128x128xf32, #tpu.memory_space<hbm>> -> memref<1x8x128xf32, #tpu.memory_space<hbm>>
      %dma_wait3A_68 = tpu.memref_squeeze %dma_wait3A_67 : memref<1x8x128xf32, #tpu.memory_space<hbm>> -> memref<8x128xf32, #tpu.memory_space<hbm>>
      tpu.wait_dma2 semaphore(%run_scoped3A : memref<!tpu.dma_semaphore, #tpu.memory_space<semaphore_mem>>) src(%arg8 : memref<8x128xf32, #tpu.memory_space<vmem>>) dst(%dma_wait3A_68 : memref<8x128xf32, #tpu.memory_space<hbm>>)
      tpu.yield
    }) : () -> ()
    return
  }
}

module attributes {stable_mosaic.version = 14 : i64} {
  func.func @_scores_kernel(%arg0: i32, %arg1: memref<2048x256xf32, #tpu.memory_space<vmem>>, %arg2: memref<256x1xf32, #tpu.memory_space<vmem>>, %arg3: memref<1x1xf32, #tpu.memory_space<vmem>>, %arg4: memref<16x128xf32, #tpu.memory_space<vmem>>) attributes {dimension_semantics = [#tpu.dimension_semantics<arbitrary>], iteration_bounds = array<i64: 1>, scalar_prefetch = 0 : i64, scratch_operands = 0 : i64, tpu.core_type = #tpu.core_type<tc>, window_params = [{pipeline_mode = #tpu.pipeline_mode<synchronous>, transform_indices = @transform_0, window_bounds = array<i64: 2048, 256>}, {pipeline_mode = #tpu.pipeline_mode<synchronous>, transform_indices = @transform_1, window_bounds = array<i64: 256, 1>}, {pipeline_mode = #tpu.pipeline_mode<synchronous>, transform_indices = @transform_2, window_bounds = array<i64: 1, 1>}, {pipeline_mode = #tpu.pipeline_mode<synchronous>, transform_indices = @transform_3, window_bounds = array<i64: 16, 128>}]} {
    %get3A = arith.constant 0 : index
    %get3A_0 = arith.constant 0 : index
    %get3A_1 = vector.load %arg1[%get3A, %get3A_0] : memref<2048x256xf32, #tpu.memory_space<vmem>>, vector<2048x256xf32>
    %get3A_2 = arith.constant 0 : index
    %get3A_3 = arith.constant 0 : index
    %get3A_4 = vector.load %arg2[%get3A_2, %get3A_3] : memref<256x1xf32, #tpu.memory_space<vmem>>, vector<256x1xf32>
    %dot_general3A = arith.constant dense<0.000000e+00> : vector<2048x1xf32>
    %dot_general3A_5 = tpu.matmul %get3A_1, %get3A_4, %dot_general3A {dimension_numbers = #tpu.dot_dimension_numbers<[1], [0], [0], [1], [0, 0, 1, 1], [], []>, transpose_lhs_hint = false} : vector<2048x256xf32>, vector<256x1xf32>, vector<2048x1xf32> -> vector<2048x1xf32>
    %get3A_6 = arith.constant 0 : index
    %get3A_7 = arith.constant 0 : index
    %get3A_8 = vector.load %arg3[%get3A_6, %get3A_7] : memref<1x1xf32, #tpu.memory_space<vmem>>, vector<1x1xf32>
    %get3A_9 = vector.extract %get3A_8[0, 0] : f32 from vector<1x1xf32>
    %add3A = vector.broadcast %get3A_9 : f32 to vector<2048x1xf32>
    %add3A_10 = arith.addf %dot_general3A_5, %add3A : vector<2048x1xf32>
    %reshape3A = vector.shape_cast %add3A_10 : vector<2048x1xf32> to vector<16x128xf32>
    %swap3A = arith.constant 0 : index
    %swap3A_11 = arith.constant 0 : index
    %swap3A_12 = vector.load %arg4[%swap3A, %swap3A_11] : memref<16x128xf32, #tpu.memory_space<vmem>>, vector<16x128xf32>
    tpu.vector_store %arg4[%swap3A, %swap3A_11], %reshape3A {strides = array<i32>} : memref<16x128xf32, #tpu.memory_space<vmem>>, vector<16x128xf32>,
    return
  }
  func.func @transform_0(%arg0: i32) -> (i32, i32) {
    %c0_i32 = arith.constant 0 : i32
    %c0_i32_0 = arith.constant 0 : i32
    %c0_i32_1 = arith.constant 0 : i32
    return %c0_i32, %c0_i32_0 : i32, i32
  }
  func.func @transform_1(%arg0: i32) -> (i32, i32) {
    %c0_i32 = arith.constant 0 : i32
    %c0_i32_0 = arith.constant 0 : i32
    %c0_i32_1 = arith.constant 0 : i32
    return %c0_i32, %c0_i32_0 : i32, i32
  }
  func.func @transform_2(%arg0: i32) -> (i32, i32) {
    %c0_i32 = arith.constant 0 : i32
    %c0_i32_0 = arith.constant 0 : i32
    %c0_i32_1 = arith.constant 0 : i32
    return %c0_i32, %c0_i32_0 : i32, i32
  }
  func.func @transform_3(%arg0: i32) -> (i32, i32) {
    %c0_i32 = arith.constant 0 : i32
    %c0_i32_0 = arith.constant 0 : i32
    %c0_i32_1 = arith.constant 0 : i32
    return %c0_i32, %c0_i32_0 : i32, i32
  }
}

module attributes {stable_mosaic.version = 14 : i64} {
  func.func @_tc_kernel(%arg0: i32, %arg1: memref<128x256xf32, #tpu.memory_space<vmem>>, %arg2: memref<1x128x128x128xf32, #tpu.memory_space<vmem>>, %arg3: memref<256x2xf32, #tpu.memory_space<vmem>>, %arg4: memref<1x2xf32, #tpu.memory_space<vmem>>, %arg5: memref<1x128x128xf32, #tpu.memory_space<vmem>>) attributes {dimension_semantics = [#tpu.dimension_semantics<parallel>], iteration_bounds = array<i64: 14>, scalar_prefetch = 0 : i64, scratch_operands = 0 : i64, tpu.core_type = #tpu.core_type<tc>, window_params = [{transform_indices = @transform_0, window_bounds = array<i64: 128, 256>}, {transform_indices = @transform_1, window_bounds = array<i64: 1, 128, 128, 128>}, {pipeline_mode = #tpu.pipeline_mode<synchronous>, transform_indices = @transform_2, window_bounds = array<i64: 256, 2>}, {pipeline_mode = #tpu.pipeline_mode<synchronous>, transform_indices = @transform_3, window_bounds = array<i64: 1, 2>}, {transform_indices = @transform_4, window_bounds = array<i64: 1, 128, 128>}]} {
    %get3A = arith.constant 0 : index
    %get3A_0 = arith.constant 0 : index
    %get3A_1 = vector.load %arg1[%get3A, %get3A_0] : memref<128x256xf32, #tpu.memory_space<vmem>>, vector<128x256xf32>
    %get3A_2 = arith.constant 0 : index
    %get3A_3 = arith.constant 0 : index
    %get3A_4 = vector.load %arg3[%get3A_2, %get3A_3] : memref<256x2xf32, #tpu.memory_space<vmem>>, vector<256x2xf32>
    %dot_general3A = arith.constant dense<0.000000e+00> : vector<128x2xf32>
    %dot_general3A_5 = tpu.matmul %get3A_1, %get3A_4, %dot_general3A {dimension_numbers = #tpu.dot_dimension_numbers<[1], [0], [0], [1], [0, 0, 1, 1], [], []>, transpose_lhs_hint = false} : vector<128x256xf32>, vector<256x2xf32>, vector<128x2xf32> -> vector<128x2xf32>
    %get3A_6 = arith.constant 0 : index
    %get3A_7 = arith.constant 0 : index
    %get3A_8 = vector.load %arg4[%get3A_6, %get3A_7] : memref<1x2xf32, #tpu.memory_space<vmem>>, vector<1x2xf32>
    %add3A = vector.broadcast %get3A_8 : vector<1x2xf32> to vector<128x2xf32>
    %add3A_9 = arith.addf %dot_general3A_5, %add3A : vector<128x2xf32>
    %get3A_10 = arith.constant 0 : index
    %get3A_11 = arith.constant 0 : index
    %get3A_12 = arith.constant 0 : index
    %get3A_13 = arith.constant 0 : index
    %get3A_14 = vector.load %arg2[%get3A_10, %get3A_11, %get3A_12, %get3A_13] : memref<1x128x128x128xf32, #tpu.memory_space<vmem>>, vector<1x128x128x128xf32>
    %get3A_15 = vector.shape_cast %get3A_14 : vector<1x128x128x128xf32> to vector<128x128x128xf32>
    %reshape3A = vector.shape_cast %get3A_15 : vector<128x128x128xf32> to vector<16384x128xf32>
    %dot_general3A_16 = arith.constant dense<0.000000e+00> : vector<2x16384xf32>
    %dot_general3A_17 = tpu.matmul %add3A_9, %reshape3A, %dot_general3A_16 {dimension_numbers = #tpu.dot_dimension_numbers<[0], [1], [1], [0], [0, 1, 1, 0], [], []>, transpose_lhs_hint = false} : vector<128x2xf32>, vector<16384x128xf32>, vector<2x16384xf32> -> vector<2x16384xf32>
    %slice3A = vector.extract_strided_slice %dot_general3A_17 {offsets = [0, 0], sizes = [1, 16384], strides = [1, 1]} : vector<2x16384xf32> to vector<1x16384xf32>
    %slice3A_18 = vector.extract_strided_slice %dot_general3A_17 {offsets = [1, 0], sizes = [1, 16384], strides = [1, 1]} : vector<2x16384xf32> to vector<1x16384xf32>
    %add3A_19 = arith.constant 9.99999993E-9 : f32
    %add3A_20 = vector.broadcast %add3A_19 : f32 to vector<1x16384xf32>
    %add3A_21 = arith.addf %slice3A_18, %add3A_20 : vector<1x16384xf32>
    %div3A = arith.divf %slice3A, %add3A_21 : vector<1x16384xf32>
    %reshape3A_22 = vector.shape_cast %div3A : vector<1x16384xf32> to vector<128x128xf32>
    %swap3A = arith.constant 0 : index
    %swap3A_23 = arith.constant 0 : index
    %swap3A_24 = arith.constant 0 : index
    %swap3A_25 = vector.load %arg5[%swap3A, %swap3A_23, %swap3A_24] : memref<1x128x128xf32, #tpu.memory_space<vmem>>, vector<1x128x128xf32>
    %swap3A_26 = vector.shape_cast %swap3A_25 : vector<1x128x128xf32> to vector<128x128xf32>
    %swap3A_27 = vector.shape_cast %reshape3A_22 : vector<128x128xf32> to vector<1x128x128xf32>
    tpu.vector_store %arg5[%swap3A, %swap3A_23, %swap3A_24], %swap3A_27 {strides = array<i32>} : memref<1x128x128xf32, #tpu.memory_space<vmem>>, vector<1x128x128xf32>,
    return
  }
  func.func @transform_0(%arg0: i32) -> (i32, i32) {
    %add3A = arith.constant 2 : i32
    %add3A_0 = arith.addi %arg0, %add3A : i32
    %c0_i32 = arith.constant 0 : i32
    %c0_i32_1 = arith.constant 0 : i32
    return %add3A_0, %c0_i32 : i32, i32
  }
  func.func @transform_1(%arg0: i32) -> (i32, i32, i32, i32) {
    %add3A = arith.constant 2 : i32
    %add3A_0 = arith.addi %arg0, %add3A : i32
    %c0_i32 = arith.constant 0 : i32
    %c0_i32_1 = arith.constant 0 : i32
    %c0_i32_2 = arith.constant 0 : i32
    %c0_i32_3 = arith.constant 0 : i32
    return %add3A_0, %c0_i32, %c0_i32_1, %c0_i32_2 : i32, i32, i32, i32
  }
  func.func @transform_2(%arg0: i32) -> (i32, i32) {
    %c0_i32 = arith.constant 0 : i32
    %c0_i32_0 = arith.constant 0 : i32
    %c0_i32_1 = arith.constant 0 : i32
    return %c0_i32, %c0_i32_0 : i32, i32
  }
  func.func @transform_3(%arg0: i32) -> (i32, i32) {
    %c0_i32 = arith.constant 0 : i32
    %c0_i32_0 = arith.constant 0 : i32
    %c0_i32_1 = arith.constant 0 : i32
    return %c0_i32, %c0_i32_0 : i32, i32
  }
  func.func @transform_4(%arg0: i32) -> (i32, i32, i32) {
    %c0_i32 = arith.constant 0 : i32
    %c0_i32_0 = arith.constant 0 : i32
    %c0_i32_1 = arith.constant 0 : i32
    return %arg0, %c0_i32, %c0_i32_0 : i32, i32, i32
  }
}

</mosaic_0001>

<sc_bundles>
// kernel: kernel.5.cloned.1.call-start
scs
__scs_entry_jumppad:
0x0: {  	(pc) =	sbr.rel $0x88, $3  }
0x1: {  	(tag) =	ssettag $0x0;
	lr =	simm.s32 $0x1  }
0x2: {  	[smem:$0x3F9D] =	sst lr;
	_ =	strace $0xD0000000  }
0x3: {  	_ = 	snop  }
0x4: {  	_ = 	snop  }
0x5: {  	_ = 	snop  }
0x6: {  	_ = 	snop  }
0x7: {  	_ = 	snop  }
__scs_overlays_trampoline_lowered:
0x8: {  	[smem:$0x3FAC] =	sst s0  }
0x9: {  	[smem:$0x3FAD] =	sst s1  }
0xa: {  	[smem:$0x3FAE] =	sst s2  }
0xb: {  	[smem:$0x3FAF] =	sst s3  }
0xc: {  	[smem:$0x3FB0] =	sst s4  }
0xd: {  	[smem:$0x3FB1] =	sst s5  }
0xe: {  	[smem:$0x3FB2] =	sst s6  }
0xf: {  	[smem:$0x3FB3] =	sst s7  }
0x10: {  	[smem:$0x3FB4] =	sst s8  }
0x11: {  	[smem:$0x3FB5] =	sst s9;
	s0 =	simm.s32 @!p0 $0x0  }
0x12: {  	s1 =	sld [smem:$0x3F9B];
	s0 =	simm.s32 @p0 $0x1  }
0x13: {  	[smem:$0x3FB6] =	sst s0;
	s0 =	simm.s32 @!p1 $0x0  }
0x14: {  	s2 =	sld [smem:$0x3F9A];
	s0 =	simm.s32 @p1 $0x1  }
0x15: {  	[smem:$0x3FB7] =	sst s0;
	s0 =	simm.s32 @!p2 $0x0  }
0x16: {  	s3 =	sld [smem:$0x3FDB];
	s0 =	simm.s32 @p2 $0x1  }
0x17: {  	s4 =	simm.s32 $0x1BF5;
	[smem:$0x3FB9] =	sst s0  }
0x18: {  	s0 =	sld [smem:$0x3F9C];
	_ =	swait.ge [sflag:s4], $0x0  }
0x19: {  	s7 =	sld [smem:$0x3F9D]  }
0x1a: {  	s8 =	sadd.s32 $0xFFFFE003, lr  }
0x1b: {  	s9 =	sadd.s32 $0xFFFFFEF7, lr;
	s5 =	simm.s32 $0xFFFFFFFF;
	p2 =	slt.u32 s8, $0xFFFFF086  }
0x1c: {  	p1 =	slt.u32 s9, $0xF7A;
	s5 =	simm.s32 @!p2 $0x0  }
0x1d: {  	s5 =	simm.s32 @p1 $0x1;
	p0 =	seq.s32 s7, s2  }
0x1e: {  	s7 =	smul.u32 @!p0 $0xF7A, s2;
	p2 =	seq.s32 @!p0 s5, $0x0  }
0x1f: {  	s9 =	smul.u32 $0xF7A, s1;
	s8 =	simm.s32 @!p0 $0x1BF5;
	p2 =	por !p2, p0  }
0x20: {  	[sflag:s8] =	ssyncset.s32 @!p0 $0xFFFFF086;
	s6 =	sadd.s32 @!p0 s3, s7;
	s7 =	simm.s32 @!p0 $0x108  }
0x21: {  	s3 =	sadd.s32 s3, s9;
	s6 =	sadd.s32 @!p0 $0x88, s6;
	s7 =	simm.s32 @p2 $0x1082  }
0x22: {  	[simem:s7], [sflag:s8] =	dma.local @!p0 [hbm:s6], $0xF7A  }
0x23: {  	s9 =	sor.u32 $0xD0000000, s2;
	s6 =	simm.s32 $0x108;
	_ =	swait.ge @!p0 [sflag:s8], $0x0  }
0x24: {  	s3 =	sadd.s32 $0x88, s3;
	s6 =	simm.s32 @!p1 $0x1082;
	[sflag:s4] =	ssyncset.s32 $0xFFFFF086  }
0x25: {  	[simem:s6], [sflag:s4] =	dma.local [hbm:s3], $0xF7A  }
0x26: {  	[smem:$0x3F9D] =	sst s1;
	(tag) =	ssettag s2;
	_ =	strace s9  }
0x27: {  	s1 =	sld [smem:$0x3FAD]  }
0x28: {  	s2 =	sld [smem:$0x3FAE]  }
0x29: {  	s4 =	sld [smem:$0x3FB0]  }
0x2a: {  	p0 =	seq.s32 s5, $0x0;
	s5 =	sld [smem:$0x3FB1]  }
0x2b: {  	s6 =	sld [smem:$0x3FB2]  }
0x2c: {  	s7 =	sld [smem:$0x3FB3]  }
0x2d: {  	s3 =	simm.s32 $0x108;
	s8 =	sld [smem:$0x3FB4]  }
0x2e: {  	s3 =	simm.s32 @!p0 $0x1082;
	s9 =	sld [smem:$0x3FB5]  }
0x2f: {  	lr =	sadd.s32 s0, s3;
	s0 =	sld [smem:$0x3FAC]  }
0x30: {  	s3 =	sld [smem:$0x3FAF]  }
0x31: {  	[smem:$0x3FB8] =	sst s10  }
0x32: {  	s10 =	sld [smem:$0x3FB6];
	_ =	sdelay $0x3  }
0x33: {  	p0 =	seq.s32 s10, $0x1;
	s10 =	sld [smem:$0x3FB8];
	_ =	sdelay $0x3  }
0x34: {  	[smem:$0x3FB8] =	sst s10  }
0x35: {  	s10 =	sld [smem:$0x3FB7];
	_ =	sdelay $0x3  }
0x36: {  	p1 =	seq.s32 s10, $0x1;
	s10 =	sld [smem:$0x3FB8];
	_ =	sdelay $0x3  }
0x37: {  	[smem:$0x3FB8] =	sst s10  }
0x38: {  	s10 =	sld [smem:$0x3FB9]  }
0x39: {  	_ = 	snop;
	(pc) =	sbr.ind lr, $3  }
0x3a: {  	_ = 	snop  }
0x3b: {  	_ = 	snop  }
0x3c: {  	p2 =	seq.s32 s10, $0x1;
	s10 =	sld [smem:$0x3FB8]  }
0x3d: {  	_ =	shalt  }
0x3e: {  	_ =	shalt  }
0x3f: {  	_ =	shalt  }
0x40: {  	_ =	shalt  }
0x41: {  	_ =	shalt  }
0x42: {  	_ =	shalt  }
0x43: {  	_ =	shalt  }
0x44: {  	_ =	shalt  }
0x45: {  	_ =	shalt  }
0x46: {  	_ =	shalt  }
0x47: {  	_ =	shalt  }
0x48: {  	_ =	shalt  }
0x49: {  	_ =	shalt  }
0x4a: {  	_ =	shalt  }
0x4b: {  	_ =	shalt  }
0x4c: {  	_ =	shalt  }
0x4d: {  	_ =	shalt  }
0x4e: {  	_ =	shalt  }
0x4f: {  	_ =	shalt  }
0x50: {  	_ =	shalt  }
0x51: {  	_ =	shalt  }
0x52: {  	_ =	shalt  }
0x53: {  	_ =	shalt  }
0x54: {  	_ =	shalt  }
0x55: {  	_ =	shalt  }
0x56: {  	_ =	shalt  }
0x57: {  	_ =	shalt  }
0x58: {  	_ =	shalt  }
0x59: {  	_ =	shalt  }
0x5a: {  	_ =	shalt  }
0x5b: {  	_ =	shalt  }
0x5c: {  	_ =	shalt  }
0x5d: {  	_ =	shalt  }
0x5e: {  	_ =	shalt  }
0x5f: {  	_ =	shalt  }
0x60: {  	_ =	shalt  }
0x61: {  	_ =	shalt  }
0x62: {  	_ =	shalt  }
0x63: {  	_ =	shalt  }
0x64: {  	_ =	shalt  }
0x65: {  	_ =	shalt  }
0x66: {  	_ =	shalt  }
0x67: {  	_ =	shalt  }
0x68: {  	_ =	shalt  }
0x69: {  	_ =	shalt  }
0x6a: {  	_ =	shalt  }
0x6b: {  	_ =	shalt  }
0x6c: {  	_ =	shalt  }
0x6d: {  	_ =	shalt  }
0x6e: {  	_ =	shalt  }
0x6f: {  	_ =	shalt  }
0x70: {  	_ =	shalt  }
0x71: {  	_ =	shalt  }
0x72: {  	_ =	shalt  }
0x73: {  	_ =	shalt  }
0x74: {  	_ =	shalt  }
0x75: {  	_ =	shalt  }
0x76: {  	_ =	shalt  }
0x77: {  	_ =	shalt  }
0x78: {  	_ =	shalt  }
0x79: {  	_ =	shalt  }
0x7a: {  	_ =	shalt  }
0x7b: {  	_ =	shalt  }
0x7c: {  	_ =	shalt  }
0x7d: {  	_ =	shalt  }
0x7e: {  	_ =	shalt  }
0x7f: {  	_ =	shalt  }
0x80: {  	_ =	shalt  }
0x81: {  	_ =	shalt  }
0x82: {  	_ =	shalt  }
0x83: {  	_ =	shalt  }
0x84: {  	_ =	shalt  }
0x85: {  	_ =	shalt  }
0x86: {  	_ =	shalt  }
0x87: {  	_ =	shalt  }
.Lfunc_end0:
.L_simem_size_0:
called_computation_lowered:
.L_overlay_start_0:
0x88: {  	s2 =	sld [smem:$0x3FD9]  }
0x89: {  	s3 =	sld [smem:$0x3FFE];
	_ =	sdelay $0x1  }
0x8a: {  	s1 =	srdreg.scid  }
0x8b: {  	s0 =	sand.u32 $0x1, s1  }
0x8c: {  	s17 =	sshll.u32 s0, $0xA;
	s2 =	sadd.s32 s3, s2  }
0x8d: {  	s2 =	sadd.s32 s2, s17  }
0x8e: {  	[smem:$0x3FC4] =	sst s2  }
0x8f: {  	_ = 	snop  }
0x90: {  	s2 =	sld [smem:$0x3FC8]  }
0x91: {  	s18 =	sld [smem:$0x3FD0];
	(tm) =	ssettm $0x1  }
0x92: {  	s4 =	sld [smem:$0x3FFB];
	_ =	sdelay $0x3  }
0x93: {  	_ =	strace s4  }
0x94: {  	s4 =	sld [smem:$0x3FFC];
	_ =	sdelay $0x3  }
0x95: {  	_ =	strace s4  }
0x96: {  	s4 =	sld [smem:$0x3FFD];
	_ =	sdelay $0x3  }
0x97: {  	_ =	strace s4  }
0x98: {  	_ =	strace $0x8FFFFFFF  }
0x99: {  	s19 =	sld [smem:$0x3FDB];
	_ =	sdelay $0x1  }
0x9a: {  	s5 =	simm.s32 $_scs_section_size  }
0x9b: {  	s6 =	simm.s32 $_size__tile_overlayer_lowered;
	s7 =	simm.s32 $_tile_overlayer_lowered  }
0x9c: {  	s22 =	simm.s32 $0x1BFF;
	s21 =	sshll.u32 s7, $0x1;
	s4 =	sadd.s32 s5, s19  }
0x9d: {  	s8 =	simm.s32 $0x0;
	s20 =	sshll.u32 s6, $0x1;
	s6 =	sadd.s32 s21, s4  }
0x9e: {  	[timem:s8], [sflag:s22] =	dma.local [hbm:s6], s20  }
0x9f: {  	_ =	swait.ge [sflag:s22], s20  }
0xa0: {  	s5 =	ssub.s32 $0x0, s20;
	[sflag:s22] =	ssyncset.done $0x0  }
0xa1: {  	[sflag:s22] =	ssyncadd.s32 s5;
	_ =	sdelay $0x1  }
0xa2: {  	s23 =	simm.s32 $0x1B8B  }
0xa3: {  	_ =	swait.ge [sflag:s23], $0x1  }
0xa4: {  	[sflag:s23] =	ssyncset.done $0x0  }
0xa5: {  	s25 =	simm.s32 $0x1B8E;
	s24 =	sld [smem:$0x3FFE];
	[sflag:s23] =	ssyncadd.s32 $0xFFFFFFFF  }
0xa6: {  	s26 =	simm.s32 $execute0_lowered;
	[smem:$0x3FD2] =	sst s25  }
0xa7: {  	s6 =	sshll.u32 s26, $0x1;
	_ =	strace $0x80000046;
	[dreg:$0x1] =	wrdreg $0xFFFFFFFF  }
0xa8: {  	s28 =	simm.s32 $_size_execute0_lowered;
	s4 =	sadd.s32 s4, s6;
	[dreg:$0x0] =	wrdreg $0x0  }
0xa9: {  	s6 =	sshll.u32 s28, $0x1;
	[dreg:$0x2] =	wrdreg s4  }
0xaa: {  	[dreg:$0x3] =	wrdreg s6  }
0xab: {  	[dreg:$0x4] =	wrdreg $0xC0  }
0xac: {  	_ =	task [dreg:s8], $0x5FFFF  }
0xad: {  	[dreg:$0x1] =	wrdreg $0xFFFFFFFF  }
0xae: {  	[dreg:$0x0] =	wrdreg $0x60  }
0xaf: {  	[dreg:$0x2] =	wrdreg s2  }
0xb0: {  	[dreg:$0x3] =	wrdreg s18  }
0xb1: {  	[dreg:$0x4] =	wrdreg s24  }
0xb2: {  	[dreg:$0x5] =	wrdreg $0x9  }
0xb3: {  	_ =	task.clear_ibuf [dreg:s8], $0x6FFFF;
	_ =	strace $0x90000046  }
0xb4: {  	s29 =	simm.s32 $0x9;
	_ =	strace $0x80000048  }
0xb5: {  	_ =	swait.ge [sflag:s29], $0x1  }
0xb6: {  	[sflag:s29] =	ssyncadd.s32 $0xFFFFFFFF  }
0xb7: {  	_ =	strace $0x90000048  }
0xb8: {  	_ =	sfence  }
0xb9: {  	s30 =	sld [smem:$0x0];
	_ =	sdelay $0x2  }
0xba: {  	s31 =	sshll.u32 s1, $0xD;
	s1 =	sshrl.u32 s1, $0x2  }
0xbb: {  	s3 =	sand.u32 $0x4000, s31;
	s1 =	sadd.s32 s1, s30  }
0xbc: {  	s0 =	sor.u32 s3, s0;
	s1 =	sshll.u32 s1, $0x11  }
0xbd: {  	s0 =	sor.u32 s1, s0  }
0xbe: {  	s0 =	sadd.s32 $0x8F2B, s0  }
0xbf: {  	[sflag:s0] =	ssyncadd.remote.s32 $0x1  }
0xc0: {  	_ =	sfence.sel $0xFFFF  }
0xc1: {  	[dreg:$0x0] =	wrdreg $0xFFFFFFFF;
	(pc) =	sbr.abs _section_cstart, $3  }
0xc2: {  	[dreg:$0x1] =	wrdreg $0xFFFFFFFF  }
0xc3: {  	_ =	task.clear_ibuf [dreg:s8], $0x2FFFF;
	_ =	strace $0x9FFFFFFF  }
0xc4: {  	(tm) =	ssettm $0x7FFFFFFF  }
0xc5: {  	_ =	shalt  }
tec
execute0_lowered:
.L_overlay_start_1:
0x0: {  	(tag) =	ssettag $0x1  }
0x1: {  	s2 =	rddreg [dreg:$0x0]  }
0x2: {  	s6 =	rddreg [dreg:$0x1]  }
0x3: {  	s5 =	rddreg [dreg:$0x2]  }
0x4: {  	s0 =	rddreg [dreg:$0x3]  }
0x5: {  	s1 =	stileid.u32;
	s4 =	srdreg.scid;
	s3 =	simm.s32 $0x0  }
0x6: {  	s13 =	simm.s32 $0x3;
	s14 =	simm.s32 $0x4000;
	s15 =	simm.s32 $0x1  }
0x7: {  	v34 =	vlaneseq.u32;
	s16 =	simm.s32 $0x2;
	s17 =	simm.s32 $0x8080;
	s18 =	simm.s32 $0x0  }
0x8: {  	s7 =	sand.u32 $0x1, s4;
	s23 =	sshll.u32 s1, $0x4;
	[smem:$0x7FF] =	sst s3;
	v61 =	vmul.u32 $0x80, v34;
	v62 =	vor.u32 $0xFFFFFF80, v34  }
0x9: {  	s9 =	sshrl.u32 s1, $0x3;
	s29 =	sshll.u32 s1, $0x1;
	_ =	strace $0x80000047;
	[tilespmem:$0x1FF80] =	vst v62  }
0xa: {  	s8 =	sshll.u32 s7, $0x3;
	s4 =	sand.u32 $0x70, s23;
	s24 =	sshll.u32 s9, $0xB;
	v6 =	vor.u32 $0x800, v61;
	[tilespmem:$0x1FF70] =	vst v61  }
0xb: {  	s9 =	sshll.u32 s9, $0x15;
	s25 =	ssub.s32 $0x2, s7;
	s30 =	sand.u32 $0x10, s29;
	v41 =	vor.u32 $0x2800, v61;
	[tilespmem:$0x1FF90] =	vst v6  }
0xc: {  	s4 =	sor.u32 s8, s4;
	s11 =	sadd.s32 s24, s5;
	s28 =	sshrl.u32 s25, $0x1;
	v44 =	vor.u32 $0x3000, v61;
	[tilespmem:$0x1FFA0] =	vst v41  }
.Ltmp0:
0xd: {  	s6 =	sadd.s32 s6, s30;
	v7 =	vor.u32 $0x1000, v61;
	s10 =	sshll.u32 s4, $0xE;
	[tilespmem:$0x1FFB0] =	vst v44;
	(pc) =	sbr.rel .LBB2_1-.Ltmp0, $4  }
0xe: {  	s8 =	sor.u32 $0x8000, s9;
	v8 =	vor.u32 $0x1800, v61;
	s12 =	ssub.s32 s25, s28;
	[tilespmem:$0x1FFC0] =	vst v7;
	s26 =	sor.u32 s9, s10  }
0xf: {  	v1 =	vor.u32 $0x3800, v61;
	s31 =	sshll.u32 s4, $0x4;
	[tilespmem:$0x1FFD0] =	vst v8;
	s9 =	sor.u32 $0xC000, s9;
	s7 =	sshrl.u32 s26, $0x3  }
0x10: {  	v9 =	vor.u32 $0x2000, v61;
	[tilespmem:$0x1FFE0] =	vst v1;
	s10 =	sadd.s32 s31, s11;
	s11 =	smax.u32 s12, $0x1;
	s5 =	sadd.s32 s2, s7  }
0x11: {  	[tilespmem:$0x1FFF0] =	vst v9;
	s12 =	simm.s32 $0x8000;
	s10 =	sadd.s32 $0xC00, s10;
	s7 =	sadd.s32 $0x800, s5  }
.LBB2_8:
0x12: {  	s18 =	sadd.s32 $0x1, s18  }
0x13: {  	p0 =	sne.s32 s18, s11  }
.Ltmp1:
0x14: {  	_ = 	snop;
	(pc) =	sbr.rel @!p0 .LBB2_9-.Ltmp1, $4  }
0x15: {  	[hbm4b:s10+s3] =	stream.linear.scatter [tilespmem:s17], [sflag:$0x3], $0x400, $0x38;
	[tilespmem:$0x8480] =	vst v63  }
0x16: {  	_ =	swait.ge [sflag:s13], $0x400  }
0x17: {  	[sflag:s13] =	ssyncset.done $0x0  }
0x18: {  	v1 =	vmov v40;
	[sflag:s13] =	ssyncadd.s32 $0xFFFFFC00  }
.LBB2_1:
0x19: {  	[tilespmem:s12], [sflag:$0x3] =	stream.linear.gather [hbm4b:s6+s3], $0x80, $0x38;
	[tilespmem:$0x8480] =	vst v63  }
0x1a: {  	_ =	swait.ge [sflag:s13], $0x80  }
0x1b: {  	[sflag:s13] =	ssyncset.done $0x0  }
0x1c: {  	[sflag:s13] =	ssyncadd.s32 $0xFFFFFF80  }
0x1d: {  	[tilespmem:s3], [sflag:$0x1] =	stream.linear.gather [hbm4b:s5+s3], $0x4000, $0x38;
	[tilespmem:$0x8480] =	vst v63  }
0x1e: {  	s19 =	simm.s32 $0x0  }
0x1f: {  	[tilespmem:s14], [sflag:$0x2] =	stream.linear.gather [hbm4b:s7+s3], $0x4000, $0x38;
	[tilespmem:$0x8480] =	vst v63  }
.LBB2_2:
0x20: {  	s20 =	simm.s32 $0x7  }
0x21: {  	s21 =	simm.s32 $0x6;
	s28 =	simm.s32 $0x4;
	v0 =	vadd.s32 s20, v62;
	v10 =	vadd.s32 s20, v34  }
0x22: {  	s22 =	simm.s32 $0x5;
	s29 =	simm.s32 $0x3;
	v11 =	vadd.s32 s21, v34;
	v12 =	vadd.s32 s21, v62;
	v13 =	vadd.s32 s28, v62  }
0x23: {  	s30 =	simm.s32 $0x1;
	v14 =	vadd.s32 s22, v34;
	v15 =	vadd.s32 s22, v62;
	v16 =	vadd.s32 s29, v34  }
0x24: {  	s23 =	simm.s32 $0x2;
	s31 =	simm.s32 $0x0;
	v17 =	vadd.s32 s29, v62;
	v18 =	vadd.s32 s28, v34;
	v19 =	vadd.s32 s30, v62  }
0x25: {  	v20 =	vadd.s32 s23, v34;
	v21 =	vadd.s32 s23, v62;
	v22 =	vadd.s32 s31, v34  }
0x26: {  	v23 =	vadd.s32 s31, v62;
	v24 =	vadd.s32 s30, v34;
	vm0 =	vgt.u32 v10, $0x7F  }
0x27: {  	vm1 =	vgt.u32 v14, $0x7F;
	vm2 =	vgt.u32 v11, $0x7F;
	vm15 =	vgt.u32 v20, $0x7F  }
0x28: {  	vm3 =	vgt.u32 v16, $0x7F;
	vm4 =	vgt.u32 v18, $0x7F;
	vm5 =	vgt.u32 v22, $0x7F  }
0x29: {  	vm6 =	vgt.u32 v24, $0x7F;
	v25 =	vsel vm0, v0, v10;
	v11 =	vsel vm2, v12, v11  }
0x2a: {  	v39 =	vsel vm3, v17, v16;
	v0 =	vsel vm6, v19, v24;
	v14 =	vsel vm1, v15, v14  }
0x2b: {  	_ =	swait.ge [sflag:s15], $0x4000;
	v4 =	vsel vm5, v23, v22;
	v16 =	vsel vm15, v21, v20;
	v18 =	vsel vm4, v13, v18  }
0x2c: {  	[sflag:s15] =	ssyncset.done $0x0;
	v27 =	vadd.s32 v61, v25;
	v36 =	vadd.s32 v6, v25;
	v29 =	vadd.s32 v7, v25  }
0x2d: {  	[sflag:s15] =	ssyncadd.s32 $0xFFFFC000;
	v35 =	vadd.s32 v8, v25;
	v31 =	vadd.s32 v9, v25;
	v28 =	vadd.s32 v41, v25  }
0x2e: {  	v30 =	vadd.s32 v44, v25;
	v2 =	vadd.s32 v1, v25;
	v17 =	vadd.s32 v61, v4;
	v10 =	vld.idx.msk [tilespmem:v11+s12+$0x0], $0xffff  }
0x2f: {  	v20 =	vadd.s32 v61, v11;
	v19 =	vadd.s32 v6, v4;
	v22 =	vadd.s32 v6, v11;
	v15 =	vld.idx.msk [tilespmem:v39+s12+$0x0], $0xffff  }
0x30: {  	v13 =	vadd.s32 v7, v11;
	v21 =	vadd.s32 v61, v0;
	v12 =	vadd.s32 v8, v11;
	v26 =	vld.idx.msk [tilespmem:v0+s12+$0x0], $0xffff  }
0x31: {  	v23 =	vadd.s32 v6, v0;
	v40 =	vadd.s32 v61, v14;
	v42 =	vadd.s32 v6, v14;
	v32 =	vld.idx.msk [tilespmem:v4+s12+$0x0], $0xffff  }
0x32: {  	v33 =	vadd.s32 v61, v16;
	v47 =	vadd.s32 v7, v14;
	v45 =	vadd.s32 v6, v16;
	v24 =	vld.idx.msk [tilespmem:v16+s12+$0x0], $0xffff  }
0x33: {  	v5 =	vadd.s32 v9, v14;
	v46 =	vadd.s32 v61, v39;
	v50 =	vadd.s32 v61, v18;
	v43 =	vld.idx.msk [tilespmem:v17+s3+$0x0], $0xffff  }
0x34: {  	v52 =	vadd.s32 v6, v39;
	[tilespmem:$0x1FEB0] =	vst v2;
	v2 =	vadd.s32 v9, v11;
	v19 =	vld.idx.msk [tilespmem:v19+s3+$0x0], $0xffff  }
0x35: {  	v51 =	vadd.s32 v6, v18;
	[tilespmem:$0x1FEC0] =	vst v2;
	v2 =	vadd.s32 v41, v11;
	v49 =	vld.idx.msk [tilespmem:v21+s3+$0x0], $0xffff  }
0x36: {  	v53 =	vadd.s32 v7, v18;
	[tilespmem:$0x1FED0] =	vst v2;
	v2 =	vadd.s32 v44, v11;
	v23 =	vld.idx.msk [tilespmem:v23+s3+$0x0], $0xffff  }
0x37: {  	v54 =	vadd.s32 v8, v18;
	[tilespmem:$0x1FEE0] =	vst v2;
	v2 =	vadd.s32 v1, v11;
	v55 =	vld.idx.msk [tilespmem:v33+s3+$0x0], $0xffff  }
0x38: {  	v48 =	vadd.s32 v41, v18;
	[tilespmem:$0x1FEF0] =	vst v2;
	v2 =	vadd.s32 v41, v14;
	v46 =	vld.idx.msk [tilespmem:v46+s3+$0x0], $0xffff  }
0x39: {  	v11 =	vadd.s32 v9, v18;
	v52 =	vld.idx.msk [tilespmem:v52+s3+$0x0], $0xffff;
	[tilespmem:$0x1FF00] =	vst v2;
	v2 =	vadd.s32 v44, v14  }
0x3a: {  	v3 =	vimm.f32 $0.0e+00;
	v17 =	vadd.s32 v8, v14;
	v45 =	vld.idx.msk [tilespmem:v45+s3+$0x0], $0xffff;
	[tilespmem:$0x1FF10] =	vst v2;
	v2 =	vadd.s32 v1, v14  }
0x3b: {  	[tilespmem:$0x1FF20] =	vst v2;
	v2 =	vadd.s32 v44, v18;
	v21 =	vmul.f32 v43, v32;
	v56 =	vmul.f32 v19, v32  }
0x3c: {  	[tilespmem:$0x1FF30] =	vst v2;
	v2 =	vadd.s32 v1, v18;
	v58 =	vmul.f32 v49, v26;
	v63 =	vmul.f32 v23, v26  }
0x3d: {  	v19 =	vadd.f32 v19, v3;
	v59 =	vmul.f32 v55, v24;
	v33 =	vmul.f32 v46, v15  }
0x3e: {  	v37 =	vmul.f32 v52, v15;
	v57 =	vadd.f32 v21, v3;
	v21 =	vld.idx.msk [tilespmem:v18+s12+$0x0], $0xffff;
	v18 =	vadd.f32 v43, v3  }
0x3f: {  	v50 =	vld.idx.msk [tilespmem:v50+s3+$0x0], $0xffff;
	v60 =	vadd.f32 v56, v3;
	v56 =	vadd.s32 v8, v39;
	v23 =	vadd.f32 v23, v19  }
0x40: {  	v51 =	vld.idx.msk [tilespmem:v51+s3+$0x0], $0xffff;
	v19 =	vadd.s32 v9, v39;
	v57 =	vadd.f32 v58, v57;
	v49 =	vadd.f32 v49, v18  }
0x41: {  	v40 =	vld.idx.msk [tilespmem:v40+s3+$0x0], $0xffff;
	v43 =	vadd.f32 v63, v60;
	v60 =	vmul.f32 v45, v24;
	v23 =	vadd.f32 v45, v23  }
0x42: {  	v58 =	vadd.s32 v7, v39;
	v18 =	vld.idx.msk [tilespmem:v14+s12+$0x0], $0xffff;
	v14 =	vadd.f32 v59, v57;
	v49 =	vadd.f32 v55, v49  }
0x43: {  	v42 =	vld.idx.msk [tilespmem:v42+s3+$0x0], $0xffff;
	v43 =	vadd.f32 v60, v43;
	v57 =	vadd.s32 v7, v4;
	v59 =	vadd.s32 v8, v4  }
0x44: {  	v20 =	vld.idx.msk [tilespmem:v20+s3+$0x0], $0xffff;
	v23 =	vadd.f32 v52, v23;
	v52 =	vadd.s32 v7, v16;
	v38 =	vmul.f32 v50, v21  }
0x45: {  	v22 =	vld.idx.msk [tilespmem:v22+s3+$0x0], $0xffff;
	v60 =	vmul.f32 v51, v21;
	v55 =	vadd.f32 v33, v14;
	v46 =	vadd.f32 v46, v49  }
0x46: {  	v14 =	vld.idx.msk [tilespmem:v25+s12+$0x0], $0xffff;
	v25 =	vadd.f32 v37, v43;
	v49 =	vadd.s32 v7, v0;
	v43 =	vadd.s32 v8, v0  }
0x47: {  	v27 =	vld.idx.msk [tilespmem:v27+s3+$0x0], $0xffff;
	v23 =	vadd.f32 v51, v23;
	v51 =	vadd.s32 v8, v16;
	v63 =	vadd.f32 v38, v55  }
0x48: {  	v33 =	vmul.f32 v40, v18;
	v46 =	vadd.f32 v50, v46;
	v25 =	vadd.f32 v60, v25  }
0x49: {  	v36 =	vld.idx.msk [tilespmem:v36+s3+$0x0], $0xffff;
	v60 =	vmul.f32 v42, v18;
	v50 =	vadd.s32 v41, v39;
	v23 =	vadd.f32 v42, v23  }
0x4a: {  	v55 =	vld.idx.msk [tilespmem:v57+s3+$0x0], $0xffff;
	v45 =	vadd.f32 v33, v63;
	v40 =	vadd.f32 v40, v46;
	v63 =	vmul.f32 v20, v10  }
0x4b: {  	v57 =	vld.idx.msk [tilespmem:v59+s3+$0x0], $0xffff;
	v25 =	vadd.f32 v60, v25;
	v33 =	vmul.f32 v22, v10;
	v46 =	vadd.s32 v1, v39  }
0x4c: {  	v22 =	vadd.f32 v22, v23;
	v49 =	vld.idx.msk [tilespmem:v49+s3+$0x0], $0xffff;
	v60 =	vmul.f32 v27, v14;
	v59 =	vadd.f32 v63, v45  }
0x4d: {  	v45 =	vadd.s32 v44, v39;
	v20 =	vadd.f32 v20, v40;
	v39 =	vld.idx.msk [tilespmem:v43+s3+$0x0], $0xffff;
	v42 =	vadd.f32 v33, v25  }
0x4e: {  	v63 =	vmul.f32 v36, v14;
	v40 =	vadd.s32 v9, v16;
	v43 =	vld.idx.msk [tilespmem:v54+s3+$0x0], $0xffff;
	v54 =	vadd.s32 v44, v0  }
0x4f: {  	[tilespmem:$0x1FF40] =	vst v2;
	v25 =	vimm.f32 $0.0e+00;
	v33 =	vmul.f32 v55, v32;
	v37 =	vadd.f32 v60, v59  }
0x50: {  	v23 =	vld.idx.msk [tilespmem:v52+s3+$0x0], $0xffff;
	v2 =	vadd.f32 v27, v20;
	v20 =	vmul.f32 v57, v32;
	v38 =	vadd.f32 v63, v42  }
0x51: {  	v59 =	vld.idx.msk [tilespmem:v51+s3+$0x0], $0xffff;
	v51 =	vadd.s32 v1, v16;
	v27 =	vimm.f32 $0.0e+00;
	v60 =	vadd.f32 v33, v3  }
0x52: {  	[tilespmem:$0x1FF50] =	vst v2;
	v63 =	vmul.f32 v49, v26;
	v2 =	vadd.f32 v36, v22;
	v22 =	vadd.s32 v41, v16  }
0x53: {  	v33 =	vadd.f32 v55, v3;
	v55 =	vld.idx.msk [tilespmem:v56+s3+$0x0], $0xffff;
	v20 =	vadd.f32 v20, v3;
	v56 =	vadd.s32 v9, v0  }
0x54: {  	v36 =	vld.idx.msk [tilespmem:v58+s3+$0x0], $0xffff;
	v52 =	vmul.f32 v39, v26;
	v42 =	vadd.f32 v63, v60;
	v60 =	vadd.f32 v57, v3  }
0x55: {  	v49 =	vadd.f32 v49, v33;
	v63 =	vmul.f32 v23, v24;
	v57 =	vadd.s32 v41, v0  }
0x56: {  	v58 =	vld.idx.msk [tilespmem:v13+s3+$0x0], $0xffff;
	v20 =	vadd.f32 v52, v20;
	v52 =	vadd.s32 v44, v16;
	v33 =	vmul.f32 v59, v24  }
0x57: {  	v16 =	vld.idx.msk [tilespmem:v53+s3+$0x0], $0xffff;
	v53 =	vadd.s32 v1, v0;
	v39 =	vadd.f32 v39, v60;
	v42 =	vadd.f32 v63, v42  }
0x58: {  	v47 =	vld.idx.msk [tilespmem:v47+s3+$0x0], $0xffff;
	v23 =	vadd.f32 v23, v49;
	v49 =	vadd.s32 v9, v4;
	v9 =	vimm.f32 $0.0e+00  }
0x59: {  	v17 =	vld.idx.msk [tilespmem:v17+s3+$0x0], $0xffff;
	v60 =	vmul.f32 v36, v15;
	v20 =	vadd.f32 v33, v20;
	v63 =	vmul.f32 v55, v15  }
0x5a: {  	v39 =	vadd.f32 v59, v39;
	v13 =	vadd.f32 v36, v23;
	v36 =	vadd.s32 v41, v4  }
0x5b: {  	v33 =	vmul.f32 v43, v21;
	v59 =	vld.idx.msk [tilespmem:v12+s3+$0x0], $0xffff;
	v42 =	vadd.f32 v60, v42;
	v20 =	vadd.f32 v63, v20  }
0x5c: {  	v60 =	vld.idx.msk [tilespmem:v35+s3+$0x0], $0xffff;
	v63 =	vmul.f32 v58, v10;
	v23 =	vmul.f32 v16, v21;
	v12 =	vadd.f32 v55, v39  }
0x5d: {  	v0 =	vadd.f32 v16, v13;
	v13 =	vmul.f32 v47, v18;
	v16 =	vadd.f32 v33, v20;
	v20 =	vld.idx.msk [tilespmem:v49+s3+$0x0], $0xffff  }
0x5e: {  	v23 =	vadd.f32 v23, v42;
	v42 =	vld.idx.msk [tilespmem:v29+s3+$0x0], $0xffff;
	v12 =	vadd.f32 v43, v12;
	v29 =	vmul.f32 v17, v18  }
0x5f: {  	v55 =	vadd.s32 v44, v4;
	v49 =	vadd.f32 v47, v0;
	v0 =	vld.idx.msk [tilespmem:v36+s3+$0x0], $0xffff;
	v36 =	vimm.f32 $0.0e+00  }
0x60: {  	v11 =	vld.idx.msk [tilespmem:v11+s3+$0x0], $0xffff;
	v16 =	vadd.f32 v29, v16;
	v17 =	vadd.f32 v17, v12;
	v29 =	vmul.f32 v59, v10  }
0x61: {  	v23 =	vadd.f32 v13, v23;
	v13 =	vld.idx.msk [tilespmem:v56+s3+$0x0], $0xffff;
	v35 =	vadd.f32 v58, v49;
	v49 =	vmul.f32 v60, v14  }
0x62: {  	v19 =	vld.idx.msk [tilespmem:v19+s3+$0x0], $0xffff;
	v56 =	vadd.s32 v1, v4;
	v39 =	vadd.f32 v29, v16;
	v43 =	vadd.f32 v59, v17  }
0x63: {  	v12 =	vld.idx.msk [tilespmem:v57+s3+$0x0], $0xffff;
	v23 =	vadd.f32 v63, v23;
	v63 =	vmul.f32 v20, v32;
	v8 =	vadd.f32 v42, v35  }
0x64: {  	v16 =	vld.idx.msk [tilespmem:v40+s3+$0x0], $0xffff;
	v33 =	vmul.f32 v42, v14;
	v7 =	vadd.f32 v49, v39;
	v35 =	vadd.f32 v60, v43  }
0x65: {  	[tilespmem:$0x1FF60] =	vst v2;
	v17 =	vld.idx.msk [tilespmem:v22+s3+$0x0], $0xffff;
	v49 =	vmul.f32 v0, v32;
	v22 =	vadd.f32 v63, v3;
	v63 =	vimm.f32 $0.0e+00  }
0x66: {  	s20 =	simm.s32 $0xF;
	v33 =	vadd.f32 v33, v23;
	v23 =	vadd.f32 v20, v3;
	v20 =	vld.idx.msk [tilespmem:v50+s3+$0x0], $0xffff;
	v50 =	vmul.f32 v13, v26  }
.LBB2_3:
0x67: {  	v1 =	vld [tilespmem:$0x1FF00];
	_ =	sdelay $0x7  }
0x68: {  	v41 =	vld.idx.msk [tilespmem:v1+s3+$0x0], $0xffff  }
0x69: {  	v1 =	vld [tilespmem:$0x1FEC0];
	_ =	sdelay $0x5  }
0x6a: {  	v13 =	vadd.f32 v13, v23;
	v22 =	vadd.f32 v50, v22;
	v23 =	vmul.f32 v16, v24;
	_ =	sdelay $0x1  }
0x6b: {  	v22 =	vadd.f32 v23, v22;
	v23 =	vld.idx.msk [tilespmem:v1+s3+$0x0], $0xffff  }
0x6c: {  	v1 =	vld [tilespmem:$0x1FED0];
	_ =	sdelay $0x1  }
0x6d: {  	v0 =	vadd.f32 v0, v63;
	v49 =	vadd.f32 v49, v3;
	v47 =	vmul.f32 v12, v26;
	v44 =	vld.idx.msk [tilespmem:v5+s3+$0x0], $0xffff  }
0x6e: {  	v48 =	vld.idx.msk [tilespmem:v48+s3+$0x0], $0xffff;
	v13 =	vadd.f32 v16, v13;
	v16 =	vmul.f32 v19, v15  }
0x6f: {  	v0 =	vadd.f32 v12, v0;
	v12 =	vmul.f32 v17, v24;
	v47 =	vadd.f32 v47, v49  }
0x70: {  	v13 =	vadd.f32 v19, v13;
	v19 =	vmul.f32 v11, v21;
	v16 =	vadd.f32 v16, v22  }
0x71: {  	v0 =	vadd.f32 v17, v0;
	v17 =	vmul.f32 v20, v15;
	v12 =	vadd.f32 v12, v47;
	v22 =	vld.idx.msk [tilespmem:v31+s3+$0x0], $0xffff  }
0x72: {  	v11 =	vadd.f32 v11, v13;
	v13 =	vmul.f32 v44, v18;
	v16 =	vadd.f32 v19, v16  }
0x73: {  	v12 =	vadd.f32 v17, v12;
	v17 =	vmul.f32 v48, v21;
	v47 =	vld.idx.msk [tilespmem:v1+s3+$0x0], $0xffff  }
0x74: {  	v13 =	vadd.f32 v13, v16;
	v16 =	vmul.f32 v23, v10  }
0x75: {  	v0 =	vadd.f32 v20, v0;
	v20 =	vld.idx.msk [tilespmem:v28+s3+$0x0], $0xffff;
	v12 =	vadd.f32 v17, v12;
	v17 =	vmul.f32 v41, v18  }
0x76: {  	v11 =	vadd.f32 v44, v11;
	v13 =	vadd.f32 v16, v13;
	v16 =	vmul.f32 v22, v14  }
0x77: {  	v12 =	vadd.f32 v17, v12  }
0x78: {  	v11 =	vadd.f32 v23, v11;
	v1 =	vadd.f32 v16, v13;
	v17 =	vmul.f32 v47, v10;
	_ =	sdelay $0x1  }
0x79: {  	[tilespmem:$0x1FE80] =	vst v1;
	v1 =	vadd.f32 v22, v11;
	v12 =	vadd.f32 v17, v12;
	v17 =	vmul.f32 v20, v14;
	_ =	sdelay $0x1  }
0x7a: {  	[tilespmem:$0x1FE90] =	vst v1;
	v1 =	vadd.f32 v17, v12;
	_ =	sdelay $0x1  }
0x7b: {  	[tilespmem:$0x1FE60] =	vst v1;
	v1 =	vld [tilespmem:$0x1FF30];
	_ =	sdelay $0x7  }
0x7c: {  	v17 =	vld.idx.msk [tilespmem:v1+s3+$0x0], $0xffff  }
0x7d: {  	v1 =	vld [tilespmem:$0x1FF40];
	_ =	sdelay $0x7  }
0x7e: {  	v22 =	vld.idx.msk [tilespmem:v1+s3+$0x0], $0xffff  }
0x7f: {  	v1 =	vld [tilespmem:$0x1FF10];
	_ =	sdelay $0x1  }
0x80: {  	v49 =	vld.idx.msk [tilespmem:v53+s3+$0x0], $0xffff;
	v0 =	vadd.f32 v48, v0  }
0x81: {  	v31 =	vld.idx.msk [tilespmem:v54+s3+$0x0], $0xffff  }
0x82: {  	v0 =	vadd.f32 v41, v0;
	_ =	sdelay $0x1  }
0x83: {  	v28 =	vld.idx.msk [tilespmem:v55+s3+$0x0], $0xffff;
	v0 =	vadd.f32 v47, v0  }
0x84: {  	v19 =	vld.idx.msk [tilespmem:v56+s3+$0x0], $0xffff  }
0x85: {  	v16 =	vmul.f32 v31, v26;
	v63 =	vadd.f32 v20, v0;
	v20 =	vmul.f32 v49, v26;
	v26 =	vld.idx.msk [tilespmem:v1+s3+$0x0], $0xffff  }
0x86: {  	v1 =	vld [tilespmem:$0x1FF20];
	_ =	sdelay $0x1  }
0x87: {  	v50 =	vld.idx.msk [tilespmem:v52+s3+$0x0], $0xffff  }
0x88: {  	v23 =	vld.idx.msk [tilespmem:v51+s3+$0x0], $0xffff;
	v51 =	vmul.f32 v28, v32  }
0x89: {  	v11 =	vmul.f32 v19, v32  }
0x8a: {  	v0 =	vadd.f32 v51, v9  }
0x8b: {  	v11 =	vadd.f32 v11, v36  }
0x8c: {  	v0 =	vadd.f32 v16, v0  }
0x8d: {  	v16 =	vmul.f32 v50, v24;
	v11 =	vadd.f32 v20, v11;
	v20 =	vmul.f32 v23, v24;
	v24 =	vld.idx.msk [tilespmem:v1+s3+$0x0], $0xffff  }
0x8e: {  	v1 =	vld [tilespmem:$0x1FEE0];
	_ =	sdelay $0x6  }
0x8f: {  	v52 =	vld.idx.msk [tilespmem:v45+s3+$0x0], $0xffff  }
0x90: {  	v12 =	vadd.f32 v28, v27;
	v28 =	vld.idx.msk [tilespmem:v1+s3+$0x0], $0xffff  }
0x91: {  	v1 =	vld [tilespmem:$0x1FEF0]  }
0x92: {  	v13 =	vld.idx.msk [tilespmem:v46+s3+$0x0], $0xffff;
	v19 =	vadd.f32 v19, v25  }
0x93: {  	v12 =	vadd.f32 v31, v12  }
0x94: {  	s30 =	sadd.s32 $0xFFFFFFFA, s20;
	v19 =	vadd.f32 v49, v19  }
0x95: {  	v53 =	vadd.s32 s30, v34;
	v12 =	vadd.f32 v50, v12  }
0x96: {  	v19 =	vadd.f32 v23, v19;
	v0 =	vadd.f32 v16, v0;
	v16 =	vmul.f32 v52, v15  }
0x97: {  	v11 =	vadd.f32 v20, v11;
	v15 =	vmul.f32 v13, v15;
	v12 =	vadd.f32 v52, v12  }
0x98: {  	v23 =	vld.idx.msk [tilespmem:v30+s3+$0x0], $0xffff;
	v13 =	vadd.f32 v13, v19;
	v0 =	vadd.f32 v16, v0;
	v16 =	vmul.f32 v17, v21  }
0x99: {  	s29 =	sadd.s32 $0xFFFFFFFC, s20;
	vm6 =	vgt.u32 v53, $0x7F;
	v11 =	vadd.f32 v15, v11;
	v12 =	vadd.f32 v17, v12;
	v20 =	vld.idx.msk [tilespmem:v1+s3+$0x0], $0xffff  }
0x9a: {  	s24 =	sadd.s32 $0xFFFFFFFB, s20;
	v17 =	vadd.s32 s29, v62;
	v0 =	vadd.f32 v16, v0;
	v15 =	vmul.f32 v22, v21;
	v1 =	vld [tilespmem:$0x1FEB0]  }
0x9b: {  	v13 =	vadd.f32 v22, v13;
	v22 =	vadd.s32 s24, v34;
	v16 =	vmul.f32 v26, v18  }
0x9c: {  	v21 =	vadd.s32 s30, v62;
	vm15 =	vgt.u32 v22, $0x7F;
	v11 =	vadd.f32 v15, v11  }
0x9d: {  	s31 =	sadd.s32 $0xFFFFFFF9, s20;
	v0 =	vadd.f32 v16, v0;
	v15 =	vmul.f32 v24, v18;
	v16 =	vmul.f32 v28, v10  }
0x9e: {  	v12 =	vadd.f32 v26, v12;
	v13 =	vadd.f32 v24, v13;
	v24 =	vadd.s32 s31, v34  }
0x9f: {  	s22 =	sadd.s32 $0xFFFFFFFD, s20;
	v11 =	vadd.f32 v15, v11;
	v15 =	vmul.f32 v23, v14;
	v0 =	vadd.f32 v16, v0  }
0xa0: {  	v43 =	vld [tilespmem:$0x1FFC0];
	v26 =	vadd.s32 s31, v62;
	v18 =	vadd.s32 s22, v34;
	vm5 =	vgt.u32 v24, $0x7F  }
0xa1: {  	v6 =	vld [tilespmem:$0x1FFF0];
	v56 =	vsel vm5, v26, v24;
	v12 =	vadd.f32 v28, v12;
	v0 =	vadd.f32 v15, v0  }
0xa2: {  	s23 =	sadd.s32 $0xFFFFFFFE, s20;
	vm4 =	vgt.u32 v18, $0x7F;
	v57 =	vadd.s32 v61, v56;
	v16 =	vadd.s32 s29, v34;
	v19 =	vld.idx.msk [tilespmem:v1+s3+$0x0], $0xffff  }
0xa3: {  	v4 =	vld [tilespmem:$0x1FFB0];
	vm3 =	vgt.u32 v16, $0x7F;
	v15 =	vadd.s32 s23, v62;
	[tilespmem:$0x1FDC0] =	vst v0;
	v0 =	vadd.f32 v23, v12  }
0xa4: {  	v44 =	vld [tilespmem:$0x1FFD0];
	v12 =	vadd.s32 s22, v62;
	v23 =	vadd.s32 s24, v62;
	v10 =	vmul.f32 v20, v10  }
0xa5: {  	v60 =	vld [tilespmem:$0x1FFE0];
	v22 =	vsel vm15, v23, v22;
	v23 =	vsel vm6, v21, v53;
	[tilespmem:$0x1FE10] =	vst v0;
	v0 =	vadd.s32 s20, v34  }
0xa6: {  	v2 =	vld [tilespmem:$0x1FFA0];
	v59 =	vadd.s32 v61, v23;
	vm0 =	vgt.u32 v0, $0x7F;
	v10 =	vadd.f32 v10, v11  }
0xa7: {  	v11 =	vadd.f32 v20, v13;
	v13 =	vmul.f32 v19, v14;
	v14 =	vadd.s32 s20, v62  }
0xa8: {  	v53 =	vadd.s32 v61, v22;
	v39 =	vadd.s32 v43, v22;
	v14 =	vsel vm0, v14, v0  }
0xa9: {  	[tilespmem:$0x1FDA0] =	vst v37;
	v40 =	vadd.s32 v44, v22;
	v1 =	vadd.f32 v13, v10;
	v0 =	vadd.s32 v43, v14  }
0xaa: {  	s21 =	sadd.s32 $0xFFFFFFFF, s20;
	v49 =	vadd.s32 v6, v22;
	v52 =	vadd.s32 v4, v22;
	v51 =	vadd.s32 v60, v22;
	[tilespmem:$0x1FDF0] =	vst v0  }
0xab: {  	v50 =	vadd.s32 v2, v23;
	v10 =	vadd.s32 s21, v34;
	v0 =	vadd.s32 v44, v14;
	[tilespmem:$0x1FDB0] =	vst v1  }
0xac: {  	v32 =	vld.idx.msk [tilespmem:v56+s12+$0x0], $0xffff;
	v13 =	vadd.s32 s23, v34;
	v1 =	vadd.f32 v19, v11;
	[tilespmem:$0x1FE00] =	vst v0;
	v0 =	vadd.s32 v6, v14  }
0xad: {  	v9 =	vmovc v35;
	v36 =	vld.idx.msk [tilespmem:v57+s3+$0x0], $0xffff;
	v20 =	vadd.s32 v61, v14;
	vm1 =	vgt.u32 v13, $0x7F;
	vm2 =	vgt.u32 v10, $0x7F;
	[tilespmem:$0x1FDD0] =	vst v0  }
0xae: {  	v24 =	vld.idx.msk [tilespmem:v22+s12+$0x0], $0xffff;
	v11 =	vadd.s32 s21, v62;
	v15 =	vsel vm1, v15, v13;
	v0 =	vadd.s32 v2, v14;
	[tilespmem:$0x1FE20] =	vst v1  }
0xaf: {  	v10 =	vsel vm2, v11, v10;
	v11 =	vsel vm3, v17, v16;
	v3 =	vadd.s32 v6, v15;
	[tilespmem:$0x1FE50] =	vst v0  }
0xb0: {  	v17 =	vsel vm4, v12, v18;
	v28 =	vadd.s32 v61, v15;
	v0 =	vadd.s32 v4, v14;
	[tilespmem:$0x1FE40] =	vst v3  }
0xb1: {  	v12 =	vadd.s32 v43, v15;
	v25 =	vadd.s32 v61, v10;
	v3 =	vadd.s32 v2, v15;
	[tilespmem:$0x1FE30] =	vst v0  }
0xb2: {  	v30 =	vadd.s32 v61, v17;
	v13 =	vadd.s32 v43, v17;
	v0 =	vadd.s32 v60, v14;
	[tilespmem:$0x1FF00] =	vst v3  }
0xb3: {  	v1 =	vld [tilespmem:$0x1FF90];
	v16 =	vadd.s32 v44, v17;
	v48 =	vadd.s32 v2, v17;
	v3 =	vadd.s32 v4, v15;
	[tilespmem:$0x1FEB0] =	vst v0  }
0xb4: {  	v55 =	vadd.s32 v61, v11;
	v34 =	vadd.s32 v43, v11;
	v0 =	vadd.s32 v44, v10;
	[tilespmem:$0x1FF10] =	vst v3  }
0xb5: {  	v35 =	vadd.s32 v44, v11;
	v61 =	vadd.s32 v6, v11;
	v3 =	vadd.s32 v60, v15;
	[tilespmem:$0x1FDE0] =	vst v0  }
0xb6: {  	v45 =	vadd.s32 v4, v11;
	v46 =	vadd.s32 v60, v11;
	v0 =	vadd.s32 v6, v10;
	[tilespmem:$0x1FF20] =	vst v3  }
0xb7: {  	v18 =	vld.idx.msk [tilespmem:v15+s12+$0x0], $0xffff;
	v3 =	vadd.s32 v6, v17;
	[tilespmem:$0x1FEC0] =	vst v0;
	v0 =	vadd.s32 v2, v10  }
0xb8: {  	v47 =	vmov v33;
	v21 =	vld.idx.msk [tilespmem:v17+s12+$0x0], $0xffff;
	[tilespmem:$0x1FEA0] =	vst v3;
	v3 =	vadd.s32 v4, v17;
	v19 =	vadd.s32 v1, v14  }
0xb9: {  	v27 =	vadd.s32 v1, v10;
	[tilespmem:$0x1FED0] =	vst v0;
	v0 =	vadd.s32 v4, v10;
	v58 =	vadd.s32 v1, v56  }
0xba: {  	v29 =	vadd.s32 v1, v15;
	v31 =	vadd.s32 v1, v17;
	[tilespmem:$0x1FF30] =	vst v3;
	v3 =	vadd.s32 v60, v17  }
0xbb: {  	v17 =	vadd.s32 v1, v23;
	v33 =	vadd.s32 v1, v11;
	[tilespmem:$0x1FEE0] =	vst v0;
	v0 =	vadd.s32 v60, v10  }
0xbc: {  	v37 =	vadd.s32 v1, v22;
	[tilespmem:$0x1FEF0] =	vst v0;
	v0 =	vadd.s32 v44, v15;
	v15 =	vld.idx.msk [tilespmem:v11+s12+$0x0], $0xffff  }
0xbd: {  	v1 =	vadd.s32 v2, v11;
	v11 =	vadd.s32 v2, v22;
	v22 =	vadd.s32 v2, v56;
	v2 =	vld.idx.msk [tilespmem:v55+s3+$0x0], $0xffff  }
0xbe: {  	v5 =	vmov v38;
	v38 =	vld.idx.msk [tilespmem:v58+s3+$0x0], $0xffff  }
0xbf: {  	v54 =	vadd.s32 v4, v23;
	v55 =	vadd.s32 v4, v56;
	v4 =	vld [tilespmem:$0x1FDA0]  }
0xc0: {  	v26 =	vld.idx.msk [tilespmem:v23+s12+$0x0], $0xffff  }
0xc1: {  	v57 =	vld.idx.msk [tilespmem:v59+s3+$0x0], $0xffff  }
0xc2: {  	v42 =	vld.idx.msk [tilespmem:v53+s3+$0x0], $0xffff;
	[tilespmem:$0x1FE70] =	vst v1;
	v1 =	vmul.f32 v36, v32  }
0xc3: {  	[tilespmem:$0x1FF40] =	vst v3;
	v58 =	vld.idx.msk [tilespmem:v17+s3+$0x0], $0xffff;
	v3 =	vmul.f32 v38, v32  }
0xc4: {  	v1 =	vadd.f32 v1, v4;
	v4 =	vld [tilespmem:$0x1FF50]  }
0xc5: {  	v3 =	vadd.f32 v3, v5;
	v5 =	vld [tilespmem:$0x1FF60]  }
0xc6: {  	v41 =	vadd.s32 v44, v23;
	v20 =	vld.idx.msk [tilespmem:v20+s3+$0x0], $0xffff  }
0xc7: {  	v59 =	vadd.s32 v43, v23;
	v53 =	vadd.s32 v60, v23;
	v62 =	vadd.s32 v43, v10;
	v37 =	vld.idx.msk [tilespmem:v37+s3+$0x0], $0xffff  }
0xc8: {  	v43 =	vadd.s32 v43, v56;
	v28 =	vld.idx.msk [tilespmem:v28+s3+$0x0], $0xffff;
	v44 =	vadd.s32 v44, v56;
	v17 =	vadd.s32 v6, v23  }
0xc9: {  	v23 =	vadd.s32 v6, v56;
	v33 =	vld.idx.msk [tilespmem:v33+s3+$0x0], $0xffff;
	v36 =	vadd.f32 v36, v4;
	v4 =	vmul.f32 v57, v26  }
0xca: {  	v30 =	vld.idx.msk [tilespmem:v30+s3+$0x0], $0xffff;
	v56 =	vadd.s32 v60, v56;
	v38 =	vadd.f32 v38, v5;
	v5 =	vmul.f32 v58, v26  }
0xcb: {  	v31 =	vld.idx.msk [tilespmem:v31+s3+$0x0], $0xffff;
	v1 =	vadd.f32 v4, v1;
	v4 =	vadd.f32 v57, v36;
	v57 =	vmul.f32 v42, v24  }
0xcc: {  	v25 =	vld.idx.msk [tilespmem:v25+s3+$0x0], $0xffff;
	v3 =	vadd.f32 v5, v3;
	v5 =	vadd.f32 v58, v38;
	v58 =	vmul.f32 v37, v24  }
0xcd: {  	v29 =	vld.idx.msk [tilespmem:v29+s3+$0x0], $0xffff;
	v60 =	vmul.f32 v2, v15;
	v1 =	vadd.f32 v57, v1;
	v4 =	vadd.f32 v42, v4  }
0xce: {  	v10 =	vld.idx.msk [tilespmem:v10+s12+$0x0], $0xffff;
	v42 =	vmul.f32 v33, v15;
	v3 =	vadd.f32 v58, v3;
	v5 =	vadd.f32 v37, v5  }
0xcf: {  	v27 =	vld.idx.msk [tilespmem:v27+s3+$0x0], $0xffff;
	v1 =	vadd.f32 v60, v1;
	v2 =	vadd.f32 v2, v4;
	v4 =	vmul.f32 v30, v21  }
0xd0: {  	v14 =	vld.idx.msk [tilespmem:v14+s12+$0x0], $0xffff;
	v57 =	vmul.f32 v31, v21;
	v3 =	vadd.f32 v42, v3;
	v5 =	vadd.f32 v33, v5  }
0xd1: {  	v19 =	vld.idx.msk [tilespmem:v19+s3+$0x0], $0xffff;
	v1 =	vadd.f32 v4, v1;
	v2 =	vadd.f32 v30, v2;
	v4 =	vmul.f32 v28, v18  }
0xd2: {  	v3 =	vadd.f32 v57, v3;
	v5 =	vadd.f32 v31, v5;
	v31 =	vmul.f32 v29, v18  }
0xd3: {  	v1 =	vadd.f32 v4, v1;
	v2 =	vadd.f32 v28, v2;
	v4 =	vmul.f32 v25, v10  }
0xd4: {  	v30 =	vld.idx.msk [tilespmem:v44+s3+$0x0], $0xffff;
	v3 =	vadd.f32 v31, v3;
	v5 =	vadd.f32 v29, v5;
	v29 =	vmul.f32 v27, v10  }
0xd5: {  	v6 =	vld [tilespmem:$0x1FDE0];
	v1 =	vadd.f32 v4, v1;
	v2 =	vadd.f32 v25, v2;
	v4 =	vmul.f32 v20, v14  }
0xd6: {  	v28 =	vld.idx.msk [tilespmem:v41+s3+$0x0], $0xffff;
	v3 =	vadd.f32 v29, v3;
	v5 =	vadd.f32 v27, v5;
	v27 =	vmul.f32 v19, v14  }
0xd7: {  	v37 =	vadd.f32 v4, v1;
	v1 =	vadd.f32 v20, v2  }
0xd8: {  	v25 =	vld.idx.msk [tilespmem:v40+s3+$0x0], $0xffff;
	v38 =	vadd.f32 v27, v3  }
0xd9: {  	[tilespmem:$0x1FF50] =	vst v1;
	v1 =	vmul.f32 v30, v32;
	v3 =	vadd.f32 v19, v5;
	v19 =	vadd.f32 v30, v9;
	_ =	sdelay $0x1  }
0xda: {  	v20 =	vmul.f32 v28, v26;
	v1 =	vadd.f32 v1, v7;
	v19 =	vadd.f32 v28, v19;
	_ =	sdelay $0x1  }
0xdb: {  	v1 =	vadd.f32 v20, v1;
	v20 =	vmul.f32 v25, v24;
	v19 =	vadd.f32 v25, v19;
	v25 =	vld.idx.msk [tilespmem:v6+s3+$0x0], $0xffff  }
0xdc: {  	v6 =	vld [tilespmem:$0x1FDF0];
	_ =	sdelay $0x1  }
0xdd: {  	v34 =	vld.idx.msk [tilespmem:v34+s3+$0x0], $0xffff  }
0xde: {  	v58 =	vld.idx.msk [tilespmem:v43+s3+$0x0], $0xffff  }
0xdf: {  	v16 =	vld.idx.msk [tilespmem:v16+s3+$0x0], $0xffff  }
0xe0: {  	v60 =	vld.idx.msk [tilespmem:v59+s3+$0x0], $0xffff  }
0xe1: {  	v2 =	vld.idx.msk [tilespmem:v35+s3+$0x0], $0xffff  }
0xe2: {  	v31 =	vld.idx.msk [tilespmem:v39+s3+$0x0], $0xffff  }
0xe3: {  	v29 =	vmul.f32 v58, v32;
	v28 =	vld.idx.msk [tilespmem:v6+s3+$0x0], $0xffff  }
0xe4: {  	v6 =	vld [tilespmem:$0x1FE00]  }
0xe5: {  	v4 =	vadd.f32 v58, v8;
	v5 =	vmul.f32 v60, v26;
	[tilespmem:$0x1FF60] =	vst v3;
	v3 =	vadd.f32 v29, v47  }
0xe6: {  	v13 =	vld.idx.msk [tilespmem:v13+s3+$0x0], $0xffff  }
0xe7: {  	v12 =	vld.idx.msk [tilespmem:v12+s3+$0x0], $0xffff;
	v4 =	vadd.f32 v60, v4;
	v3 =	vadd.f32 v5, v3;
	v5 =	vmul.f32 v31, v24  }
0xe8: {  	v27 =	vld.idx.msk [tilespmem:v0+s3+$0x0], $0xffff;
	v1 =	vadd.f32 v20, v1;
	v20 =	vmul.f32 v2, v15  }
0xe9: {  	v0 =	vadd.f32 v5, v3;
	v3 =	vadd.f32 v31, v4;
	v4 =	vmul.f32 v34, v15  }
0xea: {  	v1 =	vadd.f32 v20, v1;
	v5 =	vld.idx.msk [tilespmem:v62+s3+$0x0], $0xffff;
	v2 =	vadd.f32 v2, v19;
	v19 =	vmul.f32 v16, v21  }
0xeb: {  	v0 =	vadd.f32 v4, v0;
	v4 =	vmul.f32 v13, v21  }
0xec: {  	v20 =	vmul.f32 v12, v18;
	v3 =	vadd.f32 v34, v3;
	v1 =	vadd.f32 v19, v1;
	v29 =	vld.idx.msk [tilespmem:v6+s3+$0x0], $0xffff  }
0xed: {  	v2 =	vadd.f32 v16, v2;
	v16 =	vmul.f32 v27, v18;
	v4 =	vadd.f32 v4, v0  }
0xee: {  	v23 =	vld.idx.msk [tilespmem:v23+s3+$0x0], $0xffff;
	v19 =	vmul.f32 v25, v10;
	v3 =	vadd.f32 v13, v3  }
0xef: {  	v13 =	vld.idx.msk [tilespmem:v17+s3+$0x0], $0xffff;
	v1 =	vadd.f32 v16, v1;
	v17 =	vmul.f32 v5, v10;
	v4 =	vadd.f32 v20, v4  }
0xf0: {  	v36 =	vld [tilespmem:$0x1FDB0]  }
0xf1: {  	v1 =	vadd.f32 v19, v1;
	v4 =	vadd.f32 v17, v4;
	v17 =	vld.idx.msk [tilespmem:v11+s3+$0x0], $0xffff;
	v11 =	vmul.f32 v29, v14  }
0xf2: {  	v9 =	vld [tilespmem:$0x1FDC0]  }
0xf3: {  	v7 =	vadd.f32 v11, v1;
	v1 =	vld [tilespmem:$0x1FE80]  }
0xf4: {  	v30 =	vld [tilespmem:$0x1FE30]  }
0xf5: {  	v31 =	vld [tilespmem:$0x1FDD0]  }
0xf6: {  	v0 =	vld.idx.msk [tilespmem:v22+s3+$0x0], $0xffff;
	v22 =	vmul.f32 v23, v32  }
0xf7: {  	v62 =	vld [tilespmem:$0x1FF80]  }
0xf8: {  	v3 =	vadd.f32 v12, v3;
	v22 =	vadd.f32 v22, v1;
	v1 =	vld [tilespmem:$0x1FE90]  }
0xf9: {  	v2 =	vadd.f32 v27, v2;
	v27 =	vld [tilespmem:$0x1FE10]  }
0xfa: {  	v16 =	vld.idx.msk [tilespmem:v49+s3+$0x0], $0xffff;
	v3 =	vadd.f32 v5, v3;
	v5 =	vmul.f32 v28, v14  }
0xfb: {  	v12 =	vld.idx.msk [tilespmem:v50+s3+$0x0], $0xffff  }
0xfc: {  	v33 =	vadd.f32 v5, v4;
	v4 =	vld [tilespmem:$0x1FE70]  }
0xfd: {  	v23 =	vadd.f32 v23, v1;
	v1 =	vld [tilespmem:$0x1FEA0]  }
0xfe: {  	v2 =	vadd.f32 v25, v2;
	v25 =	vld [tilespmem:$0x1FE20]  }
0xff: {  	v19 =	vld.idx.msk [tilespmem:v61+s3+$0x0], $0xffff  }
0x100: {  	p0 =	sne.s32 s20, $0x7F;
	v61 =	vld [tilespmem:$0x1FF70]  }
.Ltmp2:
0x101: {  	v8 =	vadd.f32 v28, v3;
	v28 =	vld [tilespmem:$0x1FE50];
	(pc) =	sbr.rel @p0 .LBB2_3-.Ltmp2, $4  }
0x102: {  	v3 =	vld [tilespmem:$0x1FE60]  }
0x103: {  	v5 =	vld [tilespmem:$0x1FE40]  }
0x104: {  	v34 =	vlaneseq.u32;
	v20 =	vld.idx.msk [tilespmem:v4+s3+$0x0], $0xffff  }
0x105: {  	s20 =	sadd.s32 $0x8, s20;
	v49 =	vmul.f32 v0, v32;
	v50 =	vmul.f32 v13, v26;
	v35 =	vadd.f32 v29, v2;
	v11 =	vld.idx.msk [tilespmem:v1+s3+$0x0], $0xffff  }
0x106: {  	v6 =	vld [tilespmem:$0x1FF00];
	_ =	sdelay $0x7  }
0x107: {  	v13 =	vadd.f32 v13, v23;
	v23 =	vld.idx.msk [tilespmem:v6+s3+$0x0], $0xffff  }
0x108: {  	v6 =	vld [tilespmem:$0x1FEC0];
	_ =	sdelay $0x5  }
0x109: {  	v0 =	vadd.f32 v0, v63;
	_ =	sdelay $0x1  }
0x10a: {  	v2 =	vadd.f32 v49, v3;
	v3 =	vmul.f32 v12, v26;
	v0 =	vadd.f32 v12, v0;
	v12 =	vld.idx.msk [tilespmem:v6+s3+$0x0], $0xffff  }
0x10b: {  	v6 =	vld [tilespmem:$0x1FED0];
	_ =	sdelay $0x5  }
0x10c: {  	v4 =	vld.idx.msk [tilespmem:v5+s3+$0x0], $0xffff;
	v5 =	vadd.f32 v50, v22;
	v22 =	vmul.f32 v16, v24;
	_ =	sdelay $0x1  }
0x10d: {  	v5 =	vadd.f32 v22, v5;
	v22 =	vld.idx.msk [tilespmem:v6+s3+$0x0], $0xffff  }
0x10e: {  	v6 =	vld [tilespmem:$0x1FF30];
	_ =	sdelay $0x4  }
0x10f: {  	v13 =	vadd.f32 v16, v13;
	_ =	sdelay $0x1  }
0x110: {  	v16 =	vmul.f32 v19, v15;
	v13 =	vadd.f32 v19, v13;
	v19 =	vld.idx.msk [tilespmem:v28+s3+$0x0], $0xffff  }
0x111: {  	v28 =	vld.idx.msk [tilespmem:v6+s3+$0x0], $0xffff  }
0x112: {  	v6 =	vld [tilespmem:$0x1FF40];
	_ =	sdelay $0x6  }
0x113: {  	v1 =	vld.idx.msk [tilespmem:v48+s3+$0x0], $0xffff  }
0x114: {  	v2 =	vadd.f32 v3, v2;
	v3 =	vmul.f32 v17, v24;
	v0 =	vadd.f32 v17, v0;
	v29 =	vld.idx.msk [tilespmem:v6+s3+$0x0], $0xffff  }
0x115: {  	v6 =	vld [tilespmem:$0x1FF10]  }
0x116: {  	v2 =	vadd.f32 v3, v2;
	v3 =	vmul.f32 v20, v15;
	v0 =	vadd.f32 v20, v0;
	v20 =	vld.idx.msk [tilespmem:v55+s3+$0x0], $0xffff;
	_ =	sdelay $0x2  }
0x117: {  	v0 =	vadd.f32 v1, v0  }
0x118: {  	v2 =	vadd.f32 v3, v2;
	v3 =	vmul.f32 v1, v21;
	v1 =	vmul.f32 v23, v18  }
0x119: {  	v0 =	vadd.f32 v23, v0;
	v23 =	vadd.f32 v20, v27;
	v20 =	vmul.f32 v20, v32;
	_ =	sdelay $0x1  }
0x11a: {  	v5 =	vadd.f32 v16, v5;
	v16 =	vmul.f32 v11, v21;
	v20 =	vadd.f32 v20, v9;
	v9 =	vld.idx.msk [tilespmem:v6+s3+$0x0], $0xffff  }
0x11b: {  	v6 =	vld [tilespmem:$0x1FF20]  }
0x11c: {  	v11 =	vadd.f32 v11, v13;
	v13 =	vmul.f32 v4, v18;
	v5 =	vadd.f32 v16, v5;
	v16 =	vld.idx.msk [tilespmem:v56+s3+$0x0], $0xffff  }
0x11d: {  	v2 =	vadd.f32 v3, v2;
	v3 =	vld.idx.msk [tilespmem:v54+s3+$0x0], $0xffff  }
0x11e: {  	v5 =	vadd.f32 v13, v5;
	v13 =	vld.idx.msk [tilespmem:v53+s3+$0x0], $0xffff;
	_ =	sdelay $0x2  }
0x11f: {  	v25 =	vadd.f32 v16, v25  }
0x120: {  	v23 =	vadd.f32 v3, v23  }
0x121: {  	v25 =	vadd.f32 v13, v25;
	v3 =	vmul.f32 v3, v26;
	v13 =	vmul.f32 v13, v26;
	v26 =	vld.idx.msk [tilespmem:v6+s3+$0x0], $0xffff  }
0x122: {  	v6 =	vld [tilespmem:$0x1FEE0];
	_ =	sdelay $0x7  }
0x123: {  	v3 =	vadd.f32 v3, v20;
	v20 =	vld.idx.msk [tilespmem:v6+s3+$0x0], $0xffff  }
0x124: {  	v6 =	vld [tilespmem:$0x1FEF0];
	_ =	sdelay $0x3  }
0x125: {  	v16 =	vmul.f32 v16, v32;
	_ =	sdelay $0x1  }
0x126: {  	v16 =	vadd.f32 v16, v36;
	_ =	sdelay $0x1  }
0x127: {  	v13 =	vadd.f32 v13, v16;
	v16 =	vld.idx.msk [tilespmem:v6+s3+$0x0], $0xffff  }
0x128: {  	v6 =	vld [tilespmem:$0x1FEB0]  }
0x129: {  	v4 =	vadd.f32 v4, v11;
	v11 =	vmul.f32 v12, v10  }
0x12a: {  	v1 =	vadd.f32 v1, v2;
	v2 =	vld.idx.msk [tilespmem:v52+s3+$0x0], $0xffff  }
0x12b: {  	v5 =	vadd.f32 v11, v5;
	v11 =	vld.idx.msk [tilespmem:v51+s3+$0x0], $0xffff;
	_ =	sdelay $0x2  }
0x12c: {  	v17 =	vld.idx.msk [tilespmem:v31+s3+$0x0], $0xffff  }
0x12d: {  	v23 =	vadd.f32 v2, v23;
	v4 =	vadd.f32 v12, v4;
	v12 =	vld.idx.msk [tilespmem:v45+s3+$0x0], $0xffff  }
0x12e: {  	v2 =	vmul.f32 v2, v24;
	v25 =	vadd.f32 v11, v25;
	v11 =	vmul.f32 v11, v24;
	v24 =	vld.idx.msk [tilespmem:v6+s3+$0x0], $0xffff  }
0x12f: {  	v6 =	vld [tilespmem:$0x1FF50]  }
0x130: {  	v27 =	vld.idx.msk [tilespmem:v46+s3+$0x0], $0xffff;
	_ =	sdelay $0x2  }
0x131: {  	v54 =	vadd.f32 $9.999999930e-09, v35  }
0x132: {  	v23 =	vadd.f32 v12, v23;
	v31 =	vadd.f32 $9.999999930e-09, v6;
	v6 =	vld [tilespmem:$0x1FF60]  }
0x133: {  	v4 =	vadd.f32 v17, v4;
	v25 =	vadd.f32 v27, v25  }
0x134: {  	v2 =	vadd.f32 v2, v3;
	v23 =	vadd.f32 v28, v23  }
0x135: {  	v3 =	vld.idx.msk [tilespmem:v30+s3+$0x0], $0xffff;
	v4 =	vadd.f32 $9.999999930e-09, v4;
	v25 =	vadd.f32 v29, v25  }
0x136: {  	v0 =	vadd.f32 v22, v0;
	v23 =	vadd.f32 v9, v23  }
0x137: {  	v25 =	vadd.f32 v26, v25;
	v53 =	vadd.f32 $9.999999930e-09, v6  }
0x138: {  	v23 =	vadd.f32 v20, v23;
	(erf) = vrcp.f32 v31;
	v31 =	vadd.f32 $9.999999930e-09, v8  }
0x139: {  	v0 =	vadd.f32 v19, v0;
	v25 =	vadd.f32 v16, v25;
	(erf) = vrcp.f32 v53  }
0x13a: {  	v12 =	vmul.f32 v12, v15;
	v23 =	vadd.f32 v3, v23;
	(erf) = vrcp.f32 v31  }
0x13b: {  	v0 =	vadd.f32 $9.999999930e-09, v0;
	v25 =	vadd.f32 v24, v25;
	(erf) = vrcp.f32 v54  }
0x13c: {  	v11 =	vadd.f32 v11, v13;
	(erf) = vrcp.f32 v4;
	v4 =	vadd.f32 $9.999999930e-09, v23  }
0x13d: {  	v13 =	vmul.f32 v27, v15;
	(erf) = vrcp.f32 v0;
	v0 =	vadd.f32 $9.999999930e-09, v25  }
0x13e: {  	v2 =	vadd.f32 v12, v2;
	v12 =	vmul.f32 v28, v21;
	(erf) = vrcp.f32 v4  }
0x13f: {  	v4 =	vadd.f32 v13, v11;
	v11 =	vmul.f32 v29, v21;
	(erf) = vrcp.f32 v0  }
0x140: {  	v2 =	vadd.f32 v12, v2;
	v12 =	vmul.f32 v9, v18  }
0x141: {  	v13 =	vpop (erf);
	v0 =	vmul.f32 v17, v14;
	v4 =	vadd.f32 v11, v4;
	v11 =	vmul.f32 v26, v18  }
0x142: {  	v22 =	vmul.f32 v22, v10;
	v2 =	vadd.f32 v12, v2;
	v12 =	vmul.f32 v20, v10;
	v15 =	vpop (erf)  }
0x143: {  	v0 =	vadd.f32 v0, v5;
	v5 =	vmul.f32 v16, v10;
	v4 =	vadd.f32 v11, v4;
	v18 =	vpop (erf)  }
0x144: {  	v1 =	vadd.f32 v22, v1;
	v2 =	vadd.f32 v12, v2;
	v3 =	vmul.f32 v3, v14;
	v10 =	vpop (erf)  }
0x145: {  	s20 =	sshll.u32 s19, $0x8;
	v12 =	vmul.f32 v13, v37;
	v4 =	vadd.f32 v5, v4;
	v5 =	vmul.f32 v24, v14;
	v11 =	vpop (erf)  }
0x146: {  	s20 =	sand.u32 $0x3FFFFF00, s20;
	v2 =	vadd.f32 v3, v2;
	v17 =	vmul.f32 v19, v14;
	v3 =	vmul.f32 v15, v38;
	v13 =	vpop (erf)  }
0x147: {  	[tilespmem:s20+$0x8080] =	vst v12;
	v14 =	vmul.f32 v18, v33;
	v4 =	vadd.f32 v5, v4;
	v15 =	vpop (erf)  }
0x148: {  	s21 =	simm.s32 $0x7;
	v1 =	vadd.f32 v17, v1;
	[tilespmem:s20+$0x8090] =	vst v3;
	v5 =	vmul.f32 v10, v7;
	v0 =	vmul.f32 v11, v0;
	v10 =	vpop (erf)  }
0x149: {  	s23 =	simm.s32 $0x4;
	p0 =	seq.s32 s19, $0x3;
	v11 =	vadd.s32 s21, v34;
	[tilespmem:s20+$0x80A0] =	vst v14;
	v4 =	vmul.f32 v10, v4;
	v10 =	vadd.s32 s21, v62;
	s21 =	sshll.u32 s19, $0x1  }
0x14a: {  	s22 =	simm.s32 $0x6;
	v12 =	vadd.s32 s23, v62;
	v14 =	vadd.s32 s23, v34;
	v1 =	vmul.f32 v13, v1;
	[tilespmem:s20+$0x80B0] =	vst v5;
	s23 =	sadd.s32 @!p0 s4, s21  }
0x14b: {  	s25 =	simm.s32 $0x2;
	v13 =	vadd.s32 s22, v34;
	v2 =	vmul.f32 v15, v2;
	v15 =	vadd.s32 s22, v62;
	[tilespmem:s20+$0x80C0] =	vst v0;
	s22 =	sshll.u32 @!p0 s23, $0xE  }
0x14c: {  	s30 =	simm.s32 $0x3;
	s31 =	simm.s32 $0x0;
	v20 =	vadd.s32 s25, v34;
	[tilespmem:s20+$0x80D0] =	vst v1;
	s22 =	sadd.s32 @!p0 s22, s8  }
0x14d: {  	s24 =	simm.s32 $0x1;
	v22 =	vadd.s32 s31, v62;
	vm15 =	vgt.u32 v20, $0x7F;
	v17 =	vadd.s32 s30, v34;
	[tilespmem:s20+$0x80E0] =	vst v2;
	s22 =	sshrl.u32 @!p0 s22, $0x3  }
0x14e: {  	v8 =	vld [tilespmem:$0x1FFD0];
	v21 =	vadd.s32 s31, v34;
	v19 =	vadd.s32 s24, v62;
	vm3 =	vgt.u32 v17, $0x7F;
	[tilespmem:s20+$0x80F0] =	vst v4;
	s23 =	simm.s32 @!p0 $0x0;
	s22 =	sadd.s32 @!p0 s2, s22  }
0x14f: {  	v6 =	vld [tilespmem:$0x1FF90];
	v18 =	vadd.s32 s30, v62;
	vm0 =	vgt.u32 v11, $0x7F;
	vm2 =	vgt.u32 v13, $0x7F;
	[tilespmem:s23], [sflag:$0x1] =	stream.linear.gather @!p0 [hbm4b:s22+s23], $0x4000, $0x38  }
0x150: {  	v7 =	vld [tilespmem:$0x1FFC0];
	v0 =	vadd.s32 s24, v34;
	v1 =	vsel vm0, v10, v11;
	v11 =	vsel vm2, v15, v13;
	_ =	swait.ge [sflag:s16], $0x4000  }
0x151: {  	s29 =	simm.s32 $0x5;
	vm5 =	vgt.u32 v21, $0x7F;
	v23 =	vsel vm3, v18, v17;
	vm6 =	vgt.u32 v0, $0x7F;
	v9 =	vld [tilespmem:$0x1FFF0]  }
0x152: {  	v30 =	vsel vm5, v22, v21;
	v16 =	vadd.s32 s29, v34;
	v0 =	vsel vm6, v19, v0;
	v41 =	vld [tilespmem:$0x1FFA0]  }
0x153: {  	vm1 =	vgt.u32 v16, $0x7F;
	v3 =	vadd.s32 s29, v62;
	v5 =	vadd.s32 s25, v62;
	[sflag:s16] =	ssyncset.done $0x0;
	v44 =	vld [tilespmem:$0x1FFB0]  }
0x154: {  	v3 =	vsel vm1, v3, v16;
	v16 =	vsel vm15, v5, v20;
	v5 =	vadd.s32 v61, v30;
	v56 =	vld [tilespmem:$0x1FFE0];
	[sflag:s16] =	ssyncadd.s32 $0xFFFFC000  }
0x155: {  	v17 =	vadd.s32 v6, v30;
	v48 =	vld.idx.msk [tilespmem:v11+s12+$0x0], $0xffff  }
0x156: {  	v19 =	vadd.s32 v61, v0;
	v15 =	vld.idx.msk [tilespmem:v23+s12+$0x0], $0xffff  }
0x157: {  	v20 =	vadd.s32 v6, v0;
	v26 =	vld.idx.msk [tilespmem:v0+s12+$0x0], $0xffff  }
0x158: {  	v40 =	vadd.s32 v61, v23;
	v46 =	vadd.s32 v6, v23;
	v32 =	vld.idx.msk [tilespmem:v30+s12+$0x0], $0xffff  }
0x159: {  	v51 =	vadd.s32 v8, v23;
	vm4 =	vgt.u32 v14, $0x7F;
	v55 =	vadd.s32 v61, v16;
	v5 =	vld.idx.msk [tilespmem:v5+s14+$0x0], $0xffff  }
0x15a: {  	v25 =	vadd.s32 v61, v3;
	v14 =	vsel vm4, v12, v14;
	v39 =	vadd.s32 v6, v16;
	v17 =	vld.idx.msk [tilespmem:v17+s14+$0x0], $0xffff  }
0x15b: {  	v27 =	vadd.s32 v6, v3;
	v43 =	vadd.s32 v61, v14;
	v45 =	vadd.s32 v6, v14;
	v42 =	vld.idx.msk [tilespmem:v19+s14+$0x0], $0xffff  }
0x15c: {  	v49 =	vadd.s32 v8, v14;
	v2 =	vadd.s32 v61, v1;
	v4 =	vadd.s32 v6, v1;
	v20 =	vld.idx.msk [tilespmem:v20+s14+$0x0], $0xffff  }
0x15d: {  	v31 =	vadd.s32 v7, v1;
	v35 =	vadd.s32 v8, v1;
	v21 =	vadd.s32 v61, v11;
	v24 =	vld.idx.msk [tilespmem:v16+s12+$0x0], $0xffff  }
0x15e: {  	v22 =	vadd.s32 v6, v11;
	v13 =	vadd.s32 v7, v11;
	v12 =	vadd.s32 v8, v11;
	v50 =	vld.idx.msk [tilespmem:v55+s14+$0x0], $0xffff  }
0x15f: {  	v36 =	vadd.s32 v7, v3;
	v47 =	vadd.s32 v7, v14;
	v39 =	vld.idx.msk [tilespmem:v39+s14+$0x0], $0xffff;
	v10 =	vadd.s32 v9, v1  }
0x160: {  	v53 =	vadd.s32 v7, v23;
	v40 =	vld.idx.msk [tilespmem:v40+s14+$0x0], $0xffff;
	v18 =	vadd.s32 v9, v11;
	[tilespmem:$0x1FCF0] =	vst v10  }
0x161: {  	v28 =	vimm.f32 $0.0e+00;
	v46 =	vld.idx.msk [tilespmem:v46+s14+$0x0], $0xffff;
	v37 =	vadd.s32 v44, v1;
	v59 =	vadd.s32 v41, v14;
	[tilespmem:$0x1FD10] =	vst v18  }
0x162: {  	v38 =	vadd.s32 v56, v1;
	v60 =	vadd.s32 v44, v11;
	v63 =	vadd.s32 v44, v14;
	[tilespmem:$0x1FD50] =	vst v59  }
0x163: {  	v57 =	vadd.s32 v56, v11;
	v29 =	vadd.s32 v44, v3;
	v10 =	vadd.s32 v41, v1;
	[tilespmem:$0x1FD60] =	vst v63  }
0x164: {  	v58 =	vadd.s32 v56, v3;
	v18 =	vadd.s32 v41, v11;
	v11 =	vadd.s32 v9, v3;
	[tilespmem:$0x1FD00] =	vst v10  }
0x165: {  	v63 =	vadd.s32 v56, v14;
	[tilespmem:$0x1FD20] =	vst v18;
	v18 =	vadd.s32 v8, v3;
	v19 =	vmul.f32 v5, v32  }
0x166: {  	[tilespmem:$0x1FD30] =	vst v11;
	v11 =	vadd.s32 v41, v3;
	v33 =	vmul.f32 v17, v32;
	v59 =	vmul.f32 v42, v26  }
0x167: {  	v5 =	vadd.f32 v5, v28;
	v17 =	vadd.f32 v17, v28;
	v10 =	vadd.s32 v44, v0;
	[tilespmem:$0x1FD40] =	vst v11  }
0x168: {  	v11 =	vadd.s32 v9, v14;
	v52 =	vadd.f32 v19, v28;
	v19 =	vld.idx.msk [tilespmem:v14+s12+$0x0], $0xffff;
	v14 =	vadd.f32 v33, v28  }
0x169: {  	v43 =	vld.idx.msk [tilespmem:v43+s14+$0x0], $0xffff;
	v33 =	vmul.f32 v20, v26;
	v5 =	vadd.f32 v42, v5;
	v54 =	vadd.f32 v20, v17  }
0x16a: {  	v22 =	vld.idx.msk [tilespmem:v22+s14+$0x0], $0xffff;
	v42 =	vmul.f32 v40, v15;
	v20 =	vadd.s32 v9, v23;
	v52 =	vadd.f32 v59, v52  }
0x16b: {  	v45 =	vld.idx.msk [tilespmem:v45+s14+$0x0], $0xffff;
	v59 =	vmul.f32 v50, v24;
	v14 =	vadd.f32 v33, v14;
	v33 =	vmul.f32 v39, v24  }
0x16c: {  	v25 =	vld.idx.msk [tilespmem:v25+s14+$0x0], $0xffff;
	v5 =	vadd.f32 v50, v5;
	v39 =	vadd.f32 v39, v54;
	v50 =	vadd.s32 v7, v16  }
0x16d: {  	v17 =	vld.idx.msk [tilespmem:v3+s12+$0x0], $0xffff;
	v54 =	vadd.s32 v8, v0;
	v3 =	vadd.f32 v59, v52;
	v59 =	vadd.f32 v33, v14  }
0x16e: {  	v27 =	vld.idx.msk [tilespmem:v27+s14+$0x0], $0xffff;
	v52 =	vadd.s32 v7, v30;
	v33 =	vmul.f32 v46, v15;
	v5 =	vadd.f32 v40, v5  }
0x16f: {  	v21 =	vld.idx.msk [tilespmem:v21+s14+$0x0], $0xffff;
	v39 =	vadd.f32 v46, v39;
	v40 =	vadd.s32 v7, v0;
	v46 =	vmul.f32 v22, v48  }
0x170: {  	v2 =	vld.idx.msk [tilespmem:v2+s14+$0x0], $0xffff;
	v55 =	vmul.f32 v43, v19;
	v3 =	vadd.f32 v42, v3;
	v42 =	vadd.s32 v8, v30  }
0x171: {  	v14 =	vld.idx.msk [tilespmem:v1+s12+$0x0], $0xffff;
	v1 =	vadd.f32 v33, v59;
	v59 =	vmul.f32 v45, v19;
	v5 =	vadd.f32 v43, v5  }
0x172: {  	v4 =	vld.idx.msk [tilespmem:v4+s14+$0x0], $0xffff;
	v33 =	vmul.f32 v25, v17;
	v39 =	vadd.f32 v45, v39;
	v43 =	vadd.s32 v41, v23  }
0x173: {  	v3 =	vadd.f32 v55, v3;
	v1 =	vadd.f32 v59, v1;
	v59 =	vmul.f32 v27, v17  }
0x174: {  	v5 =	vadd.f32 v25, v5;
	v25 =	vmul.f32 v21, v48;
	v27 =	vadd.f32 v27, v39;
	v52 =	vld.idx.msk [tilespmem:v52+s14+$0x0], $0xffff  }
0x175: {  	v40 =	vld.idx.msk [tilespmem:v40+s14+$0x0], $0xffff;
	v3 =	vadd.f32 v33, v3;
	v1 =	vadd.f32 v59, v1;
	v33 =	vadd.s32 v8, v16  }
0x176: {  	v39 =	vld.idx.msk [tilespmem:v50+s14+$0x0], $0xffff;
	v5 =	vadd.f32 v21, v5;
	v21 =	vmul.f32 v2, v14;
	v22 =	vadd.f32 v22, v27  }
0x177: {  	v27 =	vmul.f32 v4, v14;
	v42 =	vld.idx.msk [tilespmem:v42+s14+$0x0], $0xffff;
	v3 =	vadd.f32 v25, v3;
	v25 =	vadd.s32 v44, v23  }
0x178: {  	v23 =	vadd.s32 v56, v23;
	v1 =	vadd.f32 v46, v1;
	v2 =	vadd.f32 v2, v5;
	[tilespmem:$0x1FD70] =	vst v25  }
0x179: {  	[tilespmem:$0x1FD80] =	vst v23;
	v23 =	vld.idx.msk [tilespmem:v54+s14+$0x0], $0xffff;
	v25 =	vimm.f32 $0.0e+00;
	v59 =	vmul.f32 v52, v32;
	v46 =	vadd.f32 v21, v3  }
0x17a: {  	v3 =	vadd.s32 v9, v16;
	[tilespmem:$0x1FD90] =	vst v2;
	v45 =	vadd.f32 v27, v1;
	v21 =	vmul.f32 v40, v26  }
0x17b: {  	v27 =	vadd.s32 v9, v0;
	v5 =	vld.idx.msk [tilespmem:v33+s14+$0x0], $0xffff;
	v33 =	vadd.f32 v52, v28;
	v52 =	vadd.s32 v44, v16  }
0x17c: {  	v2 =	vmul.f32 v42, v32;
	v1 =	vadd.f32 v59, v28;
	v59 =	vadd.f32 v4, v22;
	v22 =	vld.idx.msk [tilespmem:v53+s14+$0x0], $0xffff  }
0x17d: {  	v4 =	vadd.s32 v41, v16;
	v53 =	vld.idx.msk [tilespmem:v51+s14+$0x0], $0xffff;
	v42 =	vadd.f32 v42, v28;
	v51 =	vadd.s32 v56, v16  }
0x17e: {  	v16 =	vld.idx.msk [tilespmem:v47+s14+$0x0], $0xffff;
	v47 =	vadd.s32 v56, v0;
	v56 =	vadd.s32 v56, v30;
	v40 =	vadd.f32 v40, v33  }
0x17f: {  	v36 =	vld.idx.msk [tilespmem:v36+s14+$0x0], $0xffff;
	v2 =	vadd.f32 v2, v28;
	v1 =	vadd.f32 v21, v1;
	v21 =	vmul.f32 v23, v26  }
0x180: {  	v50 =	vld.idx.msk [tilespmem:v35+s14+$0x0], $0xffff;
	v33 =	vmul.f32 v39, v24;
	v23 =	vadd.f32 v23, v42;
	v42 =	vadd.s32 v41, v0  }
0x181: {  	v39 =	vadd.f32 v39, v40;
	v40 =	vadd.s32 v9, v30;
	v2 =	vadd.f32 v21, v2;
	v21 =	vld.idx.msk [tilespmem:v49+s14+$0x0], $0xffff  }
0x182: {  	v18 =	vld.idx.msk [tilespmem:v18+s14+$0x0], $0xffff;
	v54 =	vmul.f32 v5, v24;
	v1 =	vadd.f32 v33, v1;
	v5 =	vadd.f32 v5, v23  }
0x183: {  	v49 =	vld.idx.msk [tilespmem:v13+s14+$0x0], $0xffff;
	v55 =	vmul.f32 v22, v15;
	v23 =	vmul.f32 v53, v15;
	v13 =	vadd.f32 v22, v39  }
0x184: {  	v22 =	vmul.f32 v16, v19;
	v2 =	vadd.f32 v54, v2;
	v5 =	vadd.f32 v53, v5  }
0x185: {  	v53 =	vmul.f32 v50, v14;
	v1 =	vadd.f32 v55, v1;
	v0 =	vadd.f32 v16, v13  }
0x186: {  	v33 =	vld.idx.msk [tilespmem:v12+s14+$0x0], $0xffff;
	v2 =	vadd.f32 v23, v2;
	v23 =	vadd.s32 v41, v30;
	v12 =	vmul.f32 v21, v19  }
0x187: {  	v13 =	vmul.f32 v36, v17;
	v55 =	vadd.s32 v44, v30;
	v40 =	vld.idx.msk [tilespmem:v40+s14+$0x0], $0xffff;
	v1 =	vadd.f32 v22, v1  }
0x188: {  	v22 =	vld.idx.msk [tilespmem:v31+s14+$0x0], $0xffff;
	v5 =	vadd.f32 v21, v5;
	v2 =	vadd.f32 v12, v2;
	v12 =	vmul.f32 v18, v17  }
0x189: {  	v11 =	vld.idx.msk [tilespmem:v11+s14+$0x0], $0xffff;
	v16 =	vadd.f32 v36, v0;
	v21 =	vmul.f32 v49, v48;
	v1 =	vadd.f32 v13, v1  }
0x18a: {  	v30 =	vimm.f32 $0.0e+00;
	v5 =	vadd.f32 v18, v5;
	v13 =	vld.idx.msk [tilespmem:v27+s14+$0x0], $0xffff;
	v2 =	vadd.f32 v12, v2  }
0x18b: {  	v18 =	vmul.f32 v33, v48;
	v0 =	vld.idx.msk [tilespmem:v23+s14+$0x0], $0xffff;
	v1 =	vadd.f32 v21, v1;
	v21 =	vadd.f32 v49, v16  }
0x18c: {  	v31 =	vimm.f32 $0.0e+00;
	v5 =	vadd.f32 v33, v5;
	v16 =	vld.idx.msk [tilespmem:v3+s14+$0x0], $0xffff;
	v3 =	vmul.f32 v40, v32  }
0x18d: {  	v20 =	vld.idx.msk [tilespmem:v20+s14+$0x0], $0xffff;
	v23 =	vmul.f32 v22, v14;
	v2 =	vadd.f32 v18, v2;
	v39 =	vadd.f32 v22, v21  }
0x18e: {  	v27 =	vimm.f32 $0.0e+00;
	v12 =	vld.idx.msk [tilespmem:v42+s14+$0x0], $0xffff;
	v54 =	vadd.f32 v50, v5;
	v22 =	vadd.f32 v40, v28  }
0x18f: {  	v18 =	vld.idx.msk [tilespmem:v4+s14+$0x0], $0xffff;
	v4 =	vimm.f32 $0.0e+00;
	v35 =	vadd.f32 v23, v1;
	v23 =	vadd.f32 v3, v28  }
0x190: {  	s22 =	simm.s32 $0xF;
	v21 =	vld.idx.msk [tilespmem:v43+s14+$0x0], $0xffff;
	v50 =	vmul.f32 v13, v26;
	v33 =	vadd.f32 v53, v2;
	v49 =	vmul.f32 v0, v32  }
.LBB2_5:
0x191: {  	v5 =	vadd.f32 v13, v22  }
0x192: {  	v22 =	vld [tilespmem:$0x1FD30]  }
0x193: {  	v5 =	vadd.f32 v16, v5  }
0x194: {  	v13 =	vmul.f32 v16, v24;
	v16 =	vld [tilespmem:$0x1FD10];
	v0 =	vadd.f32 v0, v4;
	v4 =	vadd.f32 v50, v23;
	_ =	sdelay $0x1  }
0x195: {  	v5 =	vadd.f32 v20, v5;
	v4 =	vadd.f32 v13, v4;
	v13 =	vmul.f32 v20, v15;
	v20 =	vld [tilespmem:$0x1FCF0]  }
0x196: {  	v3 =	vld [tilespmem:$0x1FD50]  }
0x197: {  	v1 =	vadd.f32 v49, v28;
	v2 =	vmul.f32 v12, v26  }
0x198: {  	v0 =	vadd.f32 v12, v0;
	v12 =	vld [tilespmem:$0x1FD40]  }
0x199: {  	v1 =	vadd.f32 v2, v1;
	v2 =	vmul.f32 v18, v24;
	v22 =	vld.idx.msk [tilespmem:v22+s14+$0x0], $0xffff  }
0x19a: {  	v0 =	vadd.f32 v18, v0;
	v18 =	vld [tilespmem:$0x1FD20]  }
0x19b: {  	v1 =	vadd.f32 v2, v1;
	v2 =	vmul.f32 v21, v15;
	v16 =	vld.idx.msk [tilespmem:v16+s14+$0x0], $0xffff  }
0x19c: {  	v4 =	vadd.f32 v13, v4;
	v13 =	vmul.f32 v11, v19;
	v0 =	vadd.f32 v21, v0;
	v21 =	vld [tilespmem:$0x1FD00]  }
0x19d: {  	v20 =	vld.idx.msk [tilespmem:v20+s14+$0x0], $0xffff  }
0x19e: {  	v5 =	vadd.f32 v11, v5;
	v3 =	vld.idx.msk [tilespmem:v3+s14+$0x0], $0xffff;
	v4 =	vadd.f32 v13, v4;
	v11 =	vmul.f32 v22, v17;
	_ =	sdelay $0x1  }
0x19f: {  	v12 =	vld.idx.msk [tilespmem:v12+s14+$0x0], $0xffff;
	v4 =	vadd.f32 v11, v4;
	v11 =	vmul.f32 v16, v48  }
0x1a0: {  	v23 =	vld.idx.msk [tilespmem:v55+s14+$0x0], $0xffff  }
0x1a1: {  	v5 =	vadd.f32 v22, v5;
	v18 =	vld.idx.msk [tilespmem:v18+s14+$0x0], $0xffff;
	v4 =	vadd.f32 v11, v4;
	v11 =	vmul.f32 v20, v14  }
0x1a2: {  	v28 =	vld [tilespmem:$0x1FD70];
	v1 =	vadd.f32 v2, v1;
	v2 =	vmul.f32 v3, v19;
	v0 =	vadd.f32 v3, v0  }
0x1a3: {  	v5 =	vadd.f32 v16, v5;
	v21 =	vld.idx.msk [tilespmem:v21+s14+$0x0], $0xffff;
	v4 =	vadd.f32 v11, v4  }
0x1a4: {  	v1 =	vadd.f32 v2, v1;
	v2 =	vmul.f32 v12, v17;
	v11 =	vld [tilespmem:$0x1FD60]  }
0x1a5: {  	v0 =	vadd.f32 v12, v0;
	[tilespmem:$0x1FCB0] =	vst v4;
	v4 =	vadd.f32 v20, v5;
	v5 =	vld [tilespmem:$0x1FD80]  }
0x1a6: {  	v3 =	vld.idx.msk [tilespmem:v10+s14+$0x0], $0xffff;
	v1 =	vadd.f32 v2, v1;
	v2 =	vmul.f32 v18, v48  }
0x1a7: {  	v13 =	vld.idx.msk [tilespmem:v56+s14+$0x0], $0xffff;
	v0 =	vadd.f32 v18, v0  }
0x1a8: {  	v12 =	vld.idx.msk [tilespmem:v52+s14+$0x0], $0xffff;
	v1 =	vadd.f32 v2, v1;
	v2 =	vmul.f32 v21, v14  }
0x1a9: {  	v22 =	vld.idx.msk [tilespmem:v47+s14+$0x0], $0xffff;
	v18 =	vmul.f32 v23, v32;
	v0 =	vadd.f32 v21, v0  }
0x1aa: {  	v28 =	vld.idx.msk [tilespmem:v28+s14+$0x0], $0xffff;
	[tilespmem:$0x1FCC0] =	vst v4;
	v1 =	vadd.f32 v2, v1  }
0x1ab: {  	v16 =	vld.idx.msk [tilespmem:v51+s14+$0x0], $0xffff;
	[tilespmem:$0x1FC70] =	vst v0;
	v0 =	vadd.f32 v18, v30;
	v2 =	vmul.f32 v3, v26  }
0x1ac: {  	v4 =	vmul.f32 v13, v32;
	[tilespmem:$0x1FC80] =	vst v1;
	v1 =	vadd.f32 v23, v27;
	v11 =	vld.idx.msk [tilespmem:v11+s14+$0x0], $0xffff  }
0x1ad: {  	v13 =	vadd.f32 v13, v25;
	v0 =	vadd.f32 v2, v0;
	v2 =	vmul.f32 v12, v24;
	v5 =	vld.idx.msk [tilespmem:v5+s14+$0x0], $0xffff  }
0x1ae: {  	v18 =	vmul.f32 v22, v26;
	v4 =	vadd.f32 v4, v31;
	v1 =	vadd.f32 v3, v1;
	v3 =	vld.idx.msk [tilespmem:v29+s14+$0x0], $0xffff  }
0x1af: {  	v20 =	vld.idx.msk [tilespmem:v63+s14+$0x0], $0xffff;
	v13 =	vadd.f32 v22, v13;
	v0 =	vadd.f32 v2, v0;
	v2 =	vmul.f32 v28, v15  }
0x1b0: {  	v4 =	vadd.f32 v18, v4;
	v18 =	vmul.f32 v16, v24;
	v1 =	vadd.f32 v12, v1;
	v12 =	vld.idx.msk [tilespmem:v60+s14+$0x0], $0xffff  }
0x1b1: {  	v21 =	vld.idx.msk [tilespmem:v58+s14+$0x0], $0xffff;
	v0 =	vadd.f32 v2, v0;
	v2 =	vmul.f32 v11, v19  }
0x1b2: {  	v13 =	vadd.f32 v16, v13;
	v4 =	vadd.f32 v18, v4;
	v18 =	vld.idx.msk [tilespmem:v37+s14+$0x0], $0xffff;
	v15 =	vmul.f32 v5, v15  }
0x1b3: {  	v16 =	vld.idx.msk [tilespmem:v57+s14+$0x0], $0xffff;
	v1 =	vadd.f32 v28, v1;
	v0 =	vadd.f32 v2, v0;
	v2 =	vmul.f32 v3, v17  }
0x1b4: {  	v5 =	vadd.f32 v5, v13;
	v13 =	vmul.f32 v20, v19;
	v4 =	vadd.f32 v15, v4  }
0x1b5: {  	v1 =	vadd.f32 v11, v1;
	v15 =	vld.idx.msk [tilespmem:v38+s14+$0x0], $0xffff;
	v0 =	vadd.f32 v2, v0;
	v2 =	vmul.f32 v12, v48  }
0x1b6: {  	v11 =	vmul.f32 v21, v17;
	v5 =	vadd.f32 v20, v5;
	v4 =	vadd.f32 v13, v4  }
0x1b7: {  	v1 =	vadd.f32 v3, v1;
	v0 =	vadd.f32 v2, v0;
	v2 =	vmul.f32 v18, v14  }
0x1b8: {  	v3 =	vadd.f32 v11, v4;
	v4 =	vadd.f32 v21, v5;
	v5 =	vmul.f32 v16, v48  }
0x1b9: {  	v1 =	vadd.f32 v12, v1;
	v0 =	vadd.f32 v2, v0  }
0x1ba: {  	v3 =	vadd.f32 v5, v3;
	v5 =	vmul.f32 v15, v14  }
0x1bb: {  	[tilespmem:$0x1FCD0] =	vst v0;
	v0 =	vadd.f32 v18, v1  }
0x1bc: {  	v4 =	vadd.f32 v16, v4;
	v1 =	vadd.f32 v5, v3  }
0x1bd: {  	s31 =	sadd.s32 $0xFFFFFFF9, s22;
	v10 =	vadd.s32 s22, v62;
	[tilespmem:$0x1FC20] =	vst v0;
	v0 =	vadd.s32 s22, v34  }
0x1be: {  	s30 =	sadd.s32 $0xFFFFFFFA, s22;
	v17 =	vadd.s32 s31, v34;
	vm0 =	vgt.u32 v0, $0x7F;
	[tilespmem:$0x1FBD0] =	vst v1;
	v1 =	vadd.f32 v15, v4  }
0x1bf: {  	s24 =	sadd.s32 $0xFFFFFFFD, s22;
	v19 =	vadd.s32 s30, v34;
	vm5 =	vgt.u32 v17, $0x7F;
	v10 =	vsel vm0, v10, v0  }
0x1c0: {  	s29 =	sadd.s32 $0xFFFFFFFC, s22;
	v43 =	vld [tilespmem:$0x1FFE0];
	vm6 =	vgt.u32 v19, $0x7F;
	v13 =	vadd.s32 s24, v34;
	v0 =	vadd.s32 v7, v10;
	[tilespmem:$0x1FC50] =	vst v1  }
0x1c1: {  	s23 =	sadd.s32 $0xFFFFFFFF, s22;
	v12 =	vadd.s32 s29, v62;
	vm4 =	vgt.u32 v13, $0x7F;
	[tilespmem:$0x1FC00] =	vst v0;
	v0 =	vadd.s32 v8, v10  }
0x1c2: {  	v2 =	vadd.s32 s23, v62;
	v11 =	vadd.s32 s29, v34;
	[tilespmem:$0x1FC10] =	vst v0;
	v0 =	vadd.s32 v9, v10  }
0x1c3: {  	vm3 =	vgt.u32 v11, $0x7F;
	v1 =	vadd.s32 s23, v34;
	[tilespmem:$0x1FCF0] =	vst v0;
	v0 =	vadd.s32 v41, v10  }
0x1c4: {  	v14 =	vadd.s32 s30, v62;
	vm2 =	vgt.u32 v1, $0x7F;
	[tilespmem:$0x1FD00] =	vst v0;
	v0 =	vadd.s32 v44, v10  }
0x1c5: {  	s25 =	sadd.s32 $0xFFFFFFFE, s22;
	v18 =	vadd.s32 s31, v62;
	v1 =	vsel vm2, v2, v1;
	[tilespmem:$0x1FB90] =	vst v0;
	v0 =	vadd.s32 v43, v10  }
0x1c6: {  	v56 =	vsel vm5, v18, v17;
	v4 =	vadd.s32 s25, v34;
	[tilespmem:$0x1FBA0] =	vst v0;
	v0 =	vadd.s32 v7, v1  }
0x1c7: {  	v5 =	vadd.s32 s25, v62;
	vm1 =	vgt.u32 v4, $0x7F;
	[tilespmem:$0x1FBE0] =	vst v0;
	v0 =	vadd.s32 v8, v1  }
0x1c8: {  	v22 =	vsel vm6, v14, v19;
	v4 =	vsel vm1, v5, v4;
	[tilespmem:$0x1FBF0] =	vst v0;
	v0 =	vadd.s32 v9, v1  }
0x1c9: {  	v21 =	vadd.s32 v61, v10;
	v20 =	vadd.s32 v6, v10;
	[tilespmem:$0x1FD10] =	vst v0;
	v0 =	vadd.s32 v41, v1  }
0x1ca: {  	v5 =	vsel vm3, v12, v11;
	v28 =	vadd.s32 v61, v4;
	[tilespmem:$0x1FD20] =	vst v0;
	v0 =	vadd.s32 v7, v4  }
0x1cb: {  	s26 =	sadd.s32 $0xFFFFFFFB, s22;
	v29 =	vadd.s32 v6, v4;
	v11 =	vadd.s32 v9, v4;
	[tilespmem:$0x1FBB0] =	vst v0;
	v0 =	vadd.s32 v8, v4  }
0x1cc: {  	v16 =	vadd.s32 s26, v62;
	v14 =	vld.idx.msk [tilespmem:v10+s12+$0x0], $0xffff;
	v10 =	vadd.s32 v41, v4;
	[tilespmem:$0x1FBC0] =	vst v0;
	v0 =	vadd.s32 v44, v4  }
0x1cd: {  	v3 =	vadd.s32 s24, v62;
	v17 =	vld.idx.msk [tilespmem:v4+s12+$0x0], $0xffff;
	[tilespmem:$0x1FCA0] =	vst v0;
	v0 =	vadd.s32 v43, v4;
	v4 =	vadd.s32 v61, v56  }
0x1ce: {  	v18 =	vadd.s32 v61, v22;
	v40 =	vadd.s32 v8, v22;
	v57 =	vadd.s32 v7, v56  }
0x1cf: {  	v58 =	vadd.s32 v8, v56;
	v47 =	vadd.s32 v43, v22;
	v3 =	vsel vm4, v3, v13  }
0x1d0: {  	v63 =	vmovc v35;
	v15 =	vadd.s32 s26, v34;
	v30 =	vadd.s32 v6, v3;
	v62 =	vadd.s32 v7, v3;
	v26 =	vld.idx.msk [tilespmem:v22+s12+$0x0], $0xffff  }
0x1d1: {  	v50 =	vadd.s32 v8, v3;
	v23 =	vadd.s32 v41, v3;
	v49 =	vadd.s32 v43, v3;
	v32 =	vld.idx.msk [tilespmem:v56+s12+$0x0], $0xffff  }
0x1d2: {  	vm15 =	vgt.u32 v15, $0x7F;
	[tilespmem:$0x1FD50] =	vst v23;
	v55 =	vadd.s32 v61, v5;
	v31 =	vadd.s32 v6, v5;
	v4 =	vld.idx.msk [tilespmem:v4+s14+$0x0], $0xffff  }
0x1d3: {  	v12 =	vmovc v33;
	v33 =	vadd.s32 v7, v5;
	v34 =	vadd.s32 v8, v5;
	v2 =	vsel vm15, v16, v15  }
0x1d4: {  	v42 =	vadd.s32 v44, v5;
	[tilespmem:$0x1FD30] =	vst v11;
	v11 =	vadd.s32 v6, v56;
	v25 =	vadd.s32 v61, v1  }
0x1d5: {  	v19 =	vld.idx.msk [tilespmem:v3+s12+$0x0], $0xffff;
	v27 =	vadd.s32 v6, v1;
	v16 =	vadd.s32 v44, v1;
	v13 =	vadd.s32 v43, v1  }
0x1d6: {  	v23 =	vadd.s32 v61, v2;
	v35 =	vadd.s32 v6, v2;
	v37 =	vadd.s32 v7, v2;
	v15 =	vld.idx.msk [tilespmem:v5+s12+$0x0], $0xffff  }
0x1d7: {  	v53 =	vmov v59;
	[tilespmem:$0x1FD40] =	vst v10;
	v10 =	vadd.s32 v9, v3;
	v48 =	vld.idx.msk [tilespmem:v1+s12+$0x0], $0xffff;
	v59 =	vmul.f32 v4, v32  }
0x1d8: {  	v38 =	vadd.s32 v8, v2;
	[tilespmem:$0x1FCE0] =	vst v10;
	v10 =	vadd.s32 v44, v3;
	v24 =	vld.idx.msk [tilespmem:v2+s12+$0x0], $0xffff  }
0x1d9: {  	v52 =	vadd.s32 v44, v2;
	[tilespmem:$0x1FD60] =	vst v10;
	v10 =	vadd.s32 v9, v5;
	v59 =	vadd.f32 v59, v46;
	v46 =	vld [tilespmem:$0x1FD90]  }
0x1da: {  	v36 =	vld.idx.msk [tilespmem:v11+s14+$0x0], $0xffff;
	[tilespmem:$0x1FC60] =	vst v10;
	v10 =	vadd.s32 v41, v5;
	v5 =	vadd.s32 v43, v5  }
0x1db: {  	v60 =	vadd.s32 v43, v2;
	v11 =	vmov v39;
	v39 =	vadd.s32 v7, v22;
	[tilespmem:$0x1FD80] =	vst v5;
	v5 =	vld.idx.msk [tilespmem:v18+s14+$0x0], $0xffff  }
0x1dc: {  	v1 =	vadd.s32 v61, v3;
	v3 =	vadd.s32 v6, v22;
	[tilespmem:$0x1FC90] =	vst v10;
	v10 =	vadd.s32 v9, v2  }
0x1dd: {  	v51 =	vmov v41;
	v18 =	vadd.s32 v9, v22;
	[tilespmem:$0x1FC30] =	vst v10;
	v10 =	vadd.s32 v41, v2;
	v2 =	vld.idx.msk [tilespmem:v23+s14+$0x0], $0xffff  }
0x1de: {  	v23 =	vadd.s32 v9, v56;
	[tilespmem:$0x1FC40] =	vst v10;
	v10 =	vadd.s32 v44, v22;
	v4 =	vadd.f32 v4, v46  }
0x1df: {  	v61 =	vadd.s32 v41, v22;
	v22 =	vadd.s32 v41, v56;
	v41 =	vld.idx.msk [tilespmem:v55+s14+$0x0], $0xffff;
	v55 =	vadd.s32 v44, v56  }
0x1e0: {  	v56 =	vadd.s32 v43, v56;
	v43 =	vmul.f32 v5, v26;
	v4 =	vadd.f32 v5, v4  }
0x1e1: {  	v1 =	vld.idx.msk [tilespmem:v1+s14+$0x0], $0xffff  }
0x1e2: {  	v43 =	vadd.f32 v43, v59;
	v5 =	vmul.f32 v2, v24;
	v2 =	vadd.f32 v2, v4  }
0x1e3: {  	v28 =	vld.idx.msk [tilespmem:v28+s14+$0x0], $0xffff  }
0x1e4: {  	v5 =	vadd.f32 v5, v43;
	v4 =	vmul.f32 v41, v15;
	v2 =	vadd.f32 v41, v2  }
0x1e5: {  	v25 =	vld.idx.msk [tilespmem:v25+s14+$0x0], $0xffff  }
0x1e6: {  	v4 =	vadd.f32 v4, v5;
	v5 =	vmul.f32 v1, v19;
	v1 =	vadd.f32 v1, v2  }
0x1e7: {  	v21 =	vld.idx.msk [tilespmem:v21+s14+$0x0], $0xffff  }
0x1e8: {  	v3 =	vld.idx.msk [tilespmem:v3+s14+$0x0], $0xffff;
	v1 =	vadd.f32 v28, v1;
	_ =	sdelay $0x1  }
0x1e9: {  	v35 =	vld.idx.msk [tilespmem:v35+s14+$0x0], $0xffff;
	v1 =	vadd.f32 v25, v1  }
0x1ea: {  	[tilespmem:$0x1FD70] =	vst v42;
	v31 =	vld.idx.msk [tilespmem:v31+s14+$0x0], $0xffff;
	v42 =	vmul.f32 v36, v32  }
0x1eb: {  	v4 =	vadd.f32 v5, v4;
	v5 =	vld.idx.msk [tilespmem:v58+s14+$0x0], $0xffff;
	v58 =	vmov v0;
	v0 =	vadd.f32 v21, v1  }
0x1ec: {  	v30 =	vld.idx.msk [tilespmem:v30+s14+$0x0], $0xffff;
	v36 =	vadd.f32 v36, v53;
	v42 =	vadd.f32 v42, v45;
	v53 =	vmul.f32 v3, v26  }
0x1ed: {  	[tilespmem:$0x1FD90] =	vst v0;
	v0 =	vld [tilespmem:$0x1FBB0]  }
0x1ee: {  	v3 =	vadd.f32 v3, v36;
	v42 =	vadd.f32 v53, v42;
	v53 =	vmul.f32 v35, v24  }
0x1ef: {  	v29 =	vld.idx.msk [tilespmem:v29+s14+$0x0], $0xffff  }
0x1f0: {  	v3 =	vadd.f32 v35, v3;
	v36 =	vadd.f32 v53, v42;
	v59 =	vmul.f32 v31, v15  }
0x1f1: {  	v27 =	vld.idx.msk [tilespmem:v27+s14+$0x0], $0xffff;
	v2 =	vmul.f32 v28, v17  }
0x1f2: {  	v3 =	vadd.f32 v31, v3;
	v31 =	vmul.f32 v30, v19;
	v35 =	vadd.f32 v59, v36;
	v43 =	vld.idx.msk [tilespmem:v57+s14+$0x0], $0xffff  }
0x1f3: {  	v20 =	vld.idx.msk [tilespmem:v20+s14+$0x0], $0xffff;
	v2 =	vadd.f32 v2, v4;
	v4 =	vmul.f32 v25, v48;
	v1 =	vmul.f32 v5, v32  }
0x1f4: {  	v53 =	vld.idx.msk [tilespmem:v39+s14+$0x0], $0xffff;
	v3 =	vadd.f32 v30, v3;
	v30 =	vmul.f32 v29, v17;
	v31 =	vadd.f32 v31, v35  }
0x1f5: {  	v2 =	vadd.f32 v4, v2;
	v4 =	vmul.f32 v21, v14;
	v1 =	vadd.f32 v1, v12;
	v12 =	vld.idx.msk [tilespmem:v0+s14+$0x0], $0xffff  }
0x1f6: {  	v3 =	vadd.f32 v29, v3;
	v46 =	vmov v44;
	v30 =	vadd.f32 v30, v31;
	v0 =	vld [tilespmem:$0x1FBC0]  }
0x1f7: {  	v29 =	vmul.f32 v27, v48;
	v44 =	vmovc v46;
	v46 =	vadd.f32 v4, v2;
	v4 =	vadd.f32 v43, v11;
	v11 =	vld [tilespmem:$0x1FBE0]  }
0x1f8: {  	v31 =	vld.idx.msk [tilespmem:v37+s14+$0x0], $0xffff  }
0x1f9: {  	v3 =	vadd.f32 v27, v3;
	v29 =	vadd.f32 v29, v30;
	v30 =	vmul.f32 v43, v32  }
0x1fa: {  	v27 =	vmul.f32 v20, v14  }
0x1fb: {  	v59 =	vadd.f32 v20, v3;
	v20 =	vmul.f32 v53, v26;
	v3 =	vadd.f32 v30, v63;
	_ =	sdelay $0x1  }
0x1fc: {  	v3 =	vadd.f32 v20, v3;
	v20 =	vmul.f32 v31, v24  }
0x1fd: {  	v45 =	vadd.f32 v27, v29;
	v27 =	vld.idx.msk [tilespmem:v0+s14+$0x0], $0xffff  }
0x1fe: {  	v0 =	vadd.f32 v20, v3;
	v20 =	vld.idx.msk [tilespmem:v11+s14+$0x0], $0xffff  }
0x1ff: {  	v11 =	vld [tilespmem:$0x1FBF0]  }
0x200: {  	v28 =	vld.idx.msk [tilespmem:v40+s14+$0x0], $0xffff;
	_ =	sdelay $0x1  }
0x201: {  	v25 =	vld.idx.msk [tilespmem:v38+s14+$0x0], $0xffff  }
0x202: {  	v5 =	vadd.f32 v5, v54;
	_ =	sdelay $0x1  }
0x203: {  	v21 =	vmul.f32 v28, v26;
	v5 =	vadd.f32 v28, v5;
	_ =	sdelay $0x1  }
0x204: {  	v1 =	vadd.f32 v21, v1;
	v21 =	vmul.f32 v25, v24;
	v5 =	vadd.f32 v25, v5;
	v25 =	vld.idx.msk [tilespmem:v11+s14+$0x0], $0xffff  }
0x205: {  	v11 =	vld [tilespmem:$0x1FC00];
	_ =	sdelay $0x7  }
0x206: {  	v28 =	vld.idx.msk [tilespmem:v11+s14+$0x0], $0xffff  }
0x207: {  	v11 =	vld [tilespmem:$0x1FC10];
	_ =	sdelay $0x6  }
0x208: {  	v2 =	vld.idx.msk [tilespmem:v34+s14+$0x0], $0xffff  }
0x209: {  	v29 =	vld.idx.msk [tilespmem:v11+s14+$0x0], $0xffff  }
0x20a: {  	v11 =	vld [tilespmem:$0x1FC30]  }
0x20b: {  	v41 =	vmov v51;
	v51 =	vmov v60;
	v60 =	vmov v16;
	v16 =	vld.idx.msk [tilespmem:v50+s14+$0x0], $0xffff;
	_ =	sdelay $0x2  }
0x20c: {  	v33 =	vld.idx.msk [tilespmem:v33+s14+$0x0], $0xffff;
	v1 =	vadd.f32 v21, v1;
	v21 =	vmul.f32 v2, v15  }
0x20d: {  	v57 =	vmov v13  }
0x20e: {  	v13 =	vld.idx.msk [tilespmem:v62+s14+$0x0], $0xffff;
	v2 =	vadd.f32 v2, v5;
	v5 =	vmul.f32 v16, v19;
	v1 =	vadd.f32 v21, v1  }
0x20f: {  	v37 =	vld [tilespmem:$0x1FB90];
	v4 =	vadd.f32 v53, v4  }
0x210: {  	v2 =	vadd.f32 v16, v2;
	v1 =	vadd.f32 v5, v1;
	v5 =	vmul.f32 v27, v17;
	v16 =	vld.idx.msk [tilespmem:v11+s14+$0x0], $0xffff  }
0x211: {  	v3 =	vadd.f32 v31, v4;
	v4 =	vmul.f32 v33, v15;
	v11 =	vld [tilespmem:$0x1FC40]  }
0x212: {  	v62 =	vld [tilespmem:$0x1FF80];
	v1 =	vadd.f32 v5, v1;
	v5 =	vmul.f32 v25, v48  }
0x213: {  	v30 =	vld.idx.msk [tilespmem:v23+s14+$0x0], $0xffff;
	v0 =	vadd.f32 v4, v0;
	v4 =	vmul.f32 v13, v19  }
0x214: {  	v38 =	vld [tilespmem:$0x1FBA0];
	v3 =	vadd.f32 v33, v3;
	v1 =	vadd.f32 v5, v1;
	v5 =	vmul.f32 v29, v14  }
0x215: {  	v21 =	vmul.f32 v12, v17;
	v31 =	vld [tilespmem:$0x1FBD0];
	v4 =	vadd.f32 v4, v0  }
0x216: {  	v3 =	vadd.f32 v13, v3;
	v33 =	vadd.f32 v5, v1;
	v1 =	vld [tilespmem:$0x1FCB0]  }
0x217: {  	v13 =	vld.idx.msk [tilespmem:v18+s14+$0x0], $0xffff;
	v18 =	vmul.f32 v20, v48;
	v4 =	vadd.f32 v21, v4  }
0x218: {  	v0 =	vld.idx.msk [tilespmem:v22+s14+$0x0], $0xffff;
	v3 =	vadd.f32 v12, v3  }
0x219: {  	v4 =	vadd.f32 v18, v4;
	v18 =	vld.idx.msk [tilespmem:v11+s14+$0x0], $0xffff;
	v11 =	vmul.f32 v30, v32  }
0x21a: {  	v3 =	vadd.f32 v20, v3;
	v20 =	vld [tilespmem:$0x1FC60]  }
0x21b: {  	v23 =	vadd.f32 v11, v1;
	v1 =	vld [tilespmem:$0x1FCC0]  }
0x21c: {  	v2 =	vadd.f32 v27, v2;
	v27 =	vld [tilespmem:$0x1FC20]  }
0x21d: {  	v39 =	vadd.f32 v28, v3;
	v3 =	vld [tilespmem:$0x1FC90]  }
0x21e: {  	v12 =	vld.idx.msk [tilespmem:v61+s14+$0x0], $0xffff  }
0x21f: {  	v61 =	vld [tilespmem:$0x1FF70]  }
0x220: {  	v22 =	vadd.f32 v30, v1;
	v1 =	vld [tilespmem:$0x1FCE0]  }
0x221: {  	v2 =	vadd.f32 v25, v2;
	v25 =	vld [tilespmem:$0x1FC50]  }
0x222: {  	v20 =	vld.idx.msk [tilespmem:v20+s14+$0x0], $0xffff;
	v21 =	vmul.f32 v28, v14  }
0x223: {  	p1 =	sne.s32 s22, $0x7F;
	v28 =	vld [tilespmem:$0x1FC80]  }
.Ltmp3:
0x224: {  	v35 =	vadd.f32 v21, v4;
	v4 =	vld [tilespmem:$0x1FC70];
	(pc) =	sbr.rel @p1 .LBB2_5-.Ltmp3, $4  }
0x225: {  	v21 =	vld.idx.msk [tilespmem:v3+s14+$0x0], $0xffff  }
0x226: {  	v54 =	vadd.f32 v29, v2;
	v29 =	vld [tilespmem:$0x1FCA0]  }
0x227: {  	v30 =	vld [tilespmem:$0x1FCD0]  }
0x228: {  	s22 =	sadd.s32 $0x8, s22;
	v63 =	vmovc v49;
	v34 =	vlaneseq.u32;
	v49 =	vmul.f32 v0, v32;
	v50 =	vmul.f32 v13, v26;
	v11 =	vld.idx.msk [tilespmem:v1+s14+$0x0], $0xffff  }
0x229: {  	v3 =	vld [tilespmem:$0x1FD50]  }
0x22a: {  	v36 =	vld [tilespmem:$0x1FD10]  }
0x22b: {  	v43 =	vld [tilespmem:$0x1FD20]  }
0x22c: {  	v2 =	vmul.f32 v12, v26;
	v1 =	vadd.f32 v49, v28  }
0x22d: {  	v0 =	vadd.f32 v0, v4;
	v4 =	vadd.f32 v50, v23;
	v50 =	vld [tilespmem:$0x1FD30]  }
0x22e: {  	v53 =	vmul.f32 v18, v24;
	v28 =	vld [tilespmem:$0x1FD40];
	v1 =	vadd.f32 v2, v1  }
0x22f: {  	v49 =	vld [tilespmem:$0x1FCF0]  }
0x230: {  	v1 =	vadd.f32 v53, v1;
	v53 =	vld [tilespmem:$0x1FD00]  }
0x231: {  	v13 =	vadd.f32 v13, v22;
	v3 =	vld.idx.msk [tilespmem:v3+s14+$0x0], $0xffff  }
0x232: {  	v0 =	vadd.f32 v12, v0;
	v12 =	vld.idx.msk [tilespmem:v36+s14+$0x0], $0xffff  }
0x233: {  	v5 =	vmul.f32 v16, v24;
	v13 =	vadd.f32 v16, v13;
	v16 =	vld.idx.msk [tilespmem:v43+s14+$0x0], $0xffff  }
0x234: {  	v36 =	vld.idx.msk [tilespmem:v47+s14+$0x0], $0xffff  }
0x235: {  	v23 =	vld.idx.msk [tilespmem:v50+s14+$0x0], $0xffff  }
0x236: {  	v4 =	vadd.f32 v5, v4;
	v5 =	vmul.f32 v20, v15;
	v22 =	vld.idx.msk [tilespmem:v28+s14+$0x0], $0xffff  }
0x237: {  	v0 =	vadd.f32 v18, v0;
	v18 =	vld.idx.msk [tilespmem:v49+s14+$0x0], $0xffff  }
0x238: {  	v13 =	vadd.f32 v20, v13;
	v4 =	vadd.f32 v5, v4;
	v5 =	vmul.f32 v11, v19;
	v28 =	vld.idx.msk [tilespmem:v55+s14+$0x0], $0xffff  }
0x239: {  	v42 =	vmul.f32 v21, v15;
	v49 =	vld [tilespmem:$0x1FD70]  }
0x23a: {  	v11 =	vadd.f32 v11, v13;
	v4 =	vadd.f32 v5, v4;
	v20 =	vld.idx.msk [tilespmem:v53+s14+$0x0], $0xffff;
	v5 =	vmul.f32 v23, v17  }
0x23b: {  	v1 =	vadd.f32 v42, v1;
	v50 =	vmul.f32 v3, v19;
	v53 =	vld.idx.msk [tilespmem:v56+s14+$0x0], $0xffff  }
0x23c: {  	v56 =	vld.idx.msk [tilespmem:v10+s14+$0x0], $0xffff;
	v11 =	vadd.f32 v23, v11;
	v4 =	vadd.f32 v5, v4;
	v5 =	vmul.f32 v12, v48  }
0x23d: {  	v1 =	vadd.f32 v50, v1;
	v50 =	vld [tilespmem:$0x1FD80]  }
0x23e: {  	v4 =	vadd.f32 v5, v4;
	v5 =	vadd.f32 v12, v11;
	v11 =	vld.idx.msk [tilespmem:v51+s14+$0x0], $0xffff  }
0x23f: {  	v51 =	vld [tilespmem:$0x1FD60]  }
0x240: {  	v0 =	vadd.f32 v21, v0;
	v43 =	vld.idx.msk [tilespmem:v52+s14+$0x0], $0xffff  }
0x241: {  	v52 =	vld.idx.msk [tilespmem:v63+s14+$0x0], $0xffff  }
0x242: {  	v63 =	vld.idx.msk [tilespmem:v38+s14+$0x0], $0xffff;
	v0 =	vadd.f32 v3, v0;
	v47 =	vadd.f32 v28, v27  }
0x243: {  	v38 =	vadd.f32 $9.999999930e-09, v39;
	v21 =	vmul.f32 v28, v32;
	v2 =	vld.idx.msk [tilespmem:v49+s14+$0x0], $0xffff  }
0x244: {  	v0 =	vadd.f32 v22, v0;
	v12 =	vadd.f32 v56, v47;
	v3 =	vmul.f32 v56, v26;
	v56 =	vld.idx.msk [tilespmem:v60+s14+$0x0], $0xffff  }
0x245: {  	v39 =	vadd.f32 $9.999999930e-09, v54;
	v55 =	vmul.f32 v22, v17;
	v25 =	vadd.f32 v53, v25;
	v60 =	vld.idx.msk [tilespmem:v37+s14+$0x0], $0xffff  }
0x246: {  	v42 =	vmul.f32 v16, v48;
	v21 =	vadd.f32 v21, v30;
	v0 =	vadd.f32 v16, v0;
	v16 =	vld.idx.msk [tilespmem:v50+s14+$0x0], $0xffff  }
0x247: {  	v1 =	vadd.f32 v55, v1;
	v25 =	vadd.f32 v36, v25;
	v27 =	vld.idx.msk [tilespmem:v51+s14+$0x0], $0xffff  }
0x248: {  	v23 =	vmul.f32 v36, v26;
	v37 =	vadd.f32 $9.999999930e-09, v59;
	v12 =	vadd.f32 v43, v12;
	v36 =	vld [tilespmem:$0x1FD90]  }
0x249: {  	v29 =	vld.idx.msk [tilespmem:v29+s14+$0x0], $0xffff;
	v1 =	vadd.f32 v42, v1;
	v25 =	vadd.f32 v11, v25  }
0x24a: {  	v13 =	vmul.f32 v53, v32;
	v53 =	vld.idx.msk [tilespmem:v58+s14+$0x0], $0xffff;
	v0 =	vadd.f32 v20, v0;
	v12 =	vadd.f32 v2, v12  }
0x24b: {  	v5 =	vadd.f32 v18, v5;
	v25 =	vadd.f32 v16, v25  }
0x24c: {  	v55 =	vmul.f32 v43, v24;
	v58 =	vld.idx.msk [tilespmem:v57+s14+$0x0], $0xffff;
	v13 =	vadd.f32 v13, v31;
	v12 =	vadd.f32 v27, v12  }
0x24d: {  	v20 =	vmul.f32 v20, v14;
	v30 =	vadd.f32 $9.999999930e-09, v36;
	v25 =	vadd.f32 v52, v25  }
0x24e: {  	v3 =	vadd.f32 v3, v21;
	v18 =	vmul.f32 v18, v14;
	v12 =	vadd.f32 v29, v12  }
0x24f: {  	v0 =	vadd.f32 $9.999999930e-09, v0;
	(erf) = vrcp.f32 v30;
	v25 =	vadd.f32 v53, v25  }
0x250: {  	v13 =	vadd.f32 v23, v13;
	(erf) = vrcp.f32 v37;
	v12 =	vadd.f32 v56, v12  }
0x251: {  	v5 =	vadd.f32 $9.999999930e-09, v5;
	(erf) = vrcp.f32 v38;
	v25 =	vadd.f32 v58, v25  }
0x252: {  	v11 =	vmul.f32 v11, v24;
	(erf) = vrcp.f32 v39;
	v12 =	vadd.f32 v60, v12  }
0x253: {  	v3 =	vadd.f32 v55, v3;
	(erf) = vrcp.f32 v5;
	v25 =	vadd.f32 v63, v25  }
0x254: {  	v2 =	vmul.f32 v2, v15;
	v11 =	vadd.f32 v11, v13;
	v5 =	vadd.f32 $9.999999930e-09, v12  }
0x255: {  	v42 =	vmul.f32 v16, v15;
	(erf) = vrcp.f32 v0;
	v43 =	vadd.f32 $9.999999930e-09, v25  }
0x256: {  	v2 =	vadd.f32 v2, v3;
	v47 =	vmul.f32 v27, v19;
	(erf) = vrcp.f32 v5  }
0x257: {  	v5 =	vadd.f32 v42, v11;
	v11 =	vmul.f32 v52, v19;
	(erf) = vrcp.f32 v43  }
0x258: {  	v49 =	vadd.f32 v18, v4;
	v50 =	vmul.f32 v29, v17;
	v2 =	vadd.f32 v47, v2;
	v4 =	vpop (erf)  }
0x259: {  	v51 =	vpop (erf);
	v4 =	vmul.f32 v4, v46;
	v5 =	vadd.f32 v11, v5;
	v11 =	vmul.f32 v53, v17  }
0x25a: {  	v1 =	vadd.f32 v20, v1;
	v2 =	vadd.f32 v50, v2;
	v52 =	vmul.f32 v56, v48;
	v53 =	vpop (erf)  }
0x25b: {  	v10 =	vmul.f32 v58, v48;
	[tilespmem:s20+$0x8100] =	vst v4;
	v54 =	vpop (erf);
	v4 =	vmul.f32 v53, v35;
	v5 =	vadd.f32 v11, v5  }
0x25c: {  	v55 =	vmul.f32 v60, v14;
	v2 =	vadd.f32 v52, v2;
	v11 =	vmul.f32 v51, v45;
	v56 =	vpop (erf)  }
0x25d: {  	[tilespmem:s20+$0x8120] =	vst v4;
	v0 =	vmul.f32 v56, v49;
	v5 =	vadd.f32 v10, v5;
	v10 =	vmul.f32 v63, v14  }
0x25e: {  	v2 =	vadd.f32 v55, v2;
	v57 =	vpop (erf);
	[tilespmem:s20+$0x8110] =	vst v11;
	v11 =	vmul.f32 v54, v33  }
.Ltmp4:
0x25f: {  	v1 =	vmul.f32 v57, v1;
	[tilespmem:s20+$0x8140] =	vst v0;
	v4 =	vadd.f32 v10, v5;
	v58 =	vpop (erf);
	(pc) =	sbr.rel @p0 .LBB2_8-.Ltmp4, $4  }
0x260: {  	[tilespmem:s20+$0x8130] =	vst v11;
	v59 =	vmul.f32 v58, v2;
	v60 =	vpop (erf)  }
0x261: {  	[tilespmem:s20+$0x8150] =	vst v1;
	v63 =	vmul.f32 v60, v4  }
0x262: {  	[tilespmem:s20+$0x8160] =	vst v59  }
0x263: {  	v40 =	vld [tilespmem:$0x1FFE0];
	[tilespmem:s20+$0x8170] =	vst v63  }
0x264: {  	s20 =	sadd.s32 s4, s21  }
.Ltmp5:
0x265: {  	s20 =	sshll.u32 s20, $0xE;
	(pc) =	sbr.rel .LBB2_2-.Ltmp5, $4  }
0x266: {  	s20 =	sadd.s32 s20, s9  }
0x267: {  	s20 =	sshrl.u32 s20, $0x3  }
0x268: {  	s19 =	sadd.s32 $0x1, s19;
	s20 =	sadd.s32 s2, s20  }
0x269: {  	v1 =	vmov v40;
	[tilespmem:s14], [sflag:$0x2] =	stream.linear.gather [hbm4b:s20+s3], $0x4000, $0x38;
	[tilespmem:$0x8480] =	vst v63  }
.LBB2_9:
0x26a: {  	_ =	sfence.sel $0x180000  }
0x26b: {  	[bflag:$0x0] =	sbarrier.arrive $0xFFFF  }
0x26c: {  	p0 =	sne.s32 s1, $0x0;
	_ =	strace $0x90000047  }
0x26d: {  	s0 =	sadd.s32 @!p0 $0x100000, s0;
	[bflag:$0x2] =	sbarrier.arrive $0xFFFF  }
0x26e: {  	[sflag:s0] =	ssyncadd.tile.s32 @!p0 $0x1;
	_ =	shalt  }
.Lfunc_end2:
_tile_overlayer_lowered:
.L_overlay_start_2:
0x26f: {  	(tag) =	ssettag $0x2  }
0x270: {  	s0 =	rddreg [dreg:$0x0];
	s2 =	stileid.u32  }
0x271: {  	s1 =	rddreg [dreg:$0x1];
	p0 =	sne.s32 s2, $0x0  }
0x272: {  	s3 =	rddreg [dreg:$0x2];
	[bflag:$0x3] =	sbarrier.arrive $0xFFFF;
	s2 =	simm.s32 @!p0 $0x1C03  }
0x273: {  	[timem:s3], [sflag:s2] =	dma.local @!p0 [hbm:s0], s1  }
0x274: {  	s0 =	simm.s32 @!p0 $0x3  }
0x275: {  	_ =	swait.ge @!p0 [sflag:s0], s1  }
0x276: {  	s1 =	ssub.s32 @!p0 $0x0, s1;
	[sflag:s0] =	ssyncset.done @!p0 $0x0  }
0x277: {  	[sflag:s0] =	ssyncadd.s32 @!p0 s1  }
0x278: {  	[bflag:$0x3] =	sbarrier.arrive $0xFFFF  }
0x279: {  	_ =	shalt  }

</sc_bundles>
